<compile_context>
chip_gen: v7x
topology: tpu7x:2x2x1
jax: 0.10.2.dev20260603
libtpu: 0.0.44.dev20260713+nightly
codegen_flags: <defaults>
</compile_context>

<pallas_src>
import functools

import jax
import jax.numpy as jnp
import numpy as np
from jax import lax
from jax.experimental import pallas as pl
from jax.experimental.pallas import tpu as pltpu
from jax.experimental.pallas import tpu_sc as plsc

_N = 100000
_E = 1600000
_D_OUT = 128
_WIDTHS = [12, 6, 5, 6, 5, 1, 1, 1, 1]
_OFFS = np.concatenate([[0], np.cumsum(_WIDTHS)])
_NG = len(_WIDTHS)
_DIN = int(_OFFS[-1])
_GW = 16

_EROWS = _E // 128
_K = 6
_RPT = 390
_NTRIPS = _RPT // _K
_TAILBASE = 32 * _RPT
_ZROWS = _N // 16

_GBLK = 2048
_OBLK = 1024

_CDIM0 = (((0,), (1,)), ((), ()))
_CBOTH0 = (((0,), (0,)), ((), ()))


def _gates_body(x_ref, wg_ref, gt_ref):
    gt_ref[...] = lax.dot_general(wg_ref[...], x_ref[...], _CDIM0,
                                  preferred_element_type=jnp.float32)


def _out_body(x_ref, p0_ref, p1_ref, exp_ref, wf_ref, out_ref, attn_ref):
    lt = p0_ref[...] + p1_ref[...]
    gate = lax.broadcasted_iota(jnp.int32, lt.shape, 0)
    valid = gate < _NG
    lm = jnp.where(valid, lt, -1e30)
    m = jnp.max(lm, axis=0, keepdims=True)
    e = jnp.where(valid, jnp.exp(lm - m), 0.0)
    s = jnp.sum(e, axis=0, keepdims=True)
    at = e / s
    attn_ref[...] = at
    ax = lax.dot_general(at, exp_ref[...], _CBOTH0,
                         preferred_element_type=jnp.float32)
    out_ref[...] = jnp.dot(x_ref[...] * ax, wf_ref[...],
                           preferred_element_type=jnp.float32)


def _segment_sum_sc(g, edge3, zrows):
    mesh = plsc.VectorSubcoreMesh(core_axis_name="c", subcore_axis_name="s")

    @functools.partial(
        pl.kernel,
        out_type=[jax.ShapeDtypeStruct((_N, _GW), jnp.float32),
                  jax.ShapeDtypeStruct((_N, _GW), jnp.float32)],
        mesh=mesh,
        scratch_types=[
            pltpu.VMEM_SHARED((_N, _GW), jnp.float32),
            pltpu.VMEM((2, _K, 128), jnp.int32),
            pltpu.VMEM((2, _K, 128), jnp.int32),
            pltpu.VMEM((2, _K, 128, _GW), jnp.float32),
            pltpu.SemaphoreType.DMA,
            pltpu.SemaphoreType.DMA,
        ],
        compiler_params=pltpu.CompilerParams(use_tc_tiling_on_sc=False),
    )
    def seg_sum(g_hbm, e_hbm, z_hbm, out0_hbm, out1_hbm,
                acc, sidx, didx, rows, sem, sem2):
        cid = lax.axis_index("c")
        sid = lax.axis_index("s")
        zbase = sid * _ZROWS
        pltpu.sync_copy(z_hbm, acc.at[pl.ds(zbase, _ZROWS)])
        plsc.subcore_barrier()

        wid = cid * 16 + sid
        row0 = wid * _RPT

        def stage(par, rb):
            pltpu.sync_copy(e_hbm.at[0, pl.ds(rb, _K)], sidx.at[par])
            pltpu.sync_copy(e_hbm.at[1, pl.ds(rb, _K)], didx.at[par])
            for j in range(_K):
                pltpu.async_copy(g_hbm.at[sidx.at[par, j]],
                                 rows.at[par, j], sem)

        stage(0, row0)

        def step(gi, carry):
            par = lax.rem(gi, 2)
            for j in range(_K):
                pltpu.make_async_copy(g_hbm.at[sidx.at[par, j]],
                                      rows.at[par, j], sem).wait()

            @pl.when(gi >= 1)
            def _():
                for j in range(_K):
                    pltpu.make_async_copy(rows.at[1 - par, j],
                                          acc.at[didx.at[1 - par, j]],
                                          sem2).wait()

            @pl.when(gi + 1 < _NTRIPS)
            def _():
                stage(1 - par, row0 + (gi + 1) * _K)

            for j in range(_K):
                pltpu.async_copy(rows.at[par, j], acc.at[didx.at[par, j]],
                                 sem2, add=True)
            return carry

        lax.fori_loop(0, _NTRIPS, step, 0)
        lastpar = (_NTRIPS - 1) % 2
        for j in range(_K):
            pltpu.make_async_copy(rows.at[lastpar, j],
                                  acc.at[didx.at[lastpar, j]],
                                  sem2).wait()

        @pl.when(wid < 20)
        def _():
            pltpu.sync_copy(e_hbm.at[0, pl.ds(_TAILBASE + wid, 1)],
                            sidx.at[0, pl.ds(0, 1)])
            pltpu.sync_copy(e_hbm.at[1, pl.ds(_TAILBASE + wid, 1)],
                            didx.at[0, pl.ds(0, 1)])
            pltpu.async_copy(g_hbm.at[sidx.at[0, 0]],
                             rows.at[0, 0], sem).wait()
            pltpu.sync_copy(rows.at[0, 0], acc.at[didx.at[0, 0]],
                            add=True)

        plsc.subcore_barrier()

        @pl.when(cid == 0)
        def _():
            pltpu.sync_copy(acc.at[pl.ds(zbase, _ZROWS)],
                            out0_hbm.at[pl.ds(zbase, _ZROWS)])

        @pl.when(cid == 1)
        def _():
            pltpu.sync_copy(acc.at[pl.ds(zbase, _ZROWS)],
                            out1_hbm.at[pl.ds(zbase, _ZROWS)])

    return seg_sum(g, edge3, zrows)


def kernel(x, edge_index, batch, Wg, Wf):
    del batch

    wg_block = jnp.zeros((_DIN, _GW), jnp.float32)
    for i in range(_NG):
        wg_block = wg_block.at[_OFFS[i]:_OFFS[i + 1], i].set(Wg[i][:, 0])
    wf_block = jnp.concatenate(Wf, axis=0)

    expand = np.zeros((_GW, _DIN), np.float32)
    for i in range(_NG):
        expand[i, _OFFS[i]:_OFFS[i + 1]] = 1.0
    expand = jnp.asarray(expand)

    edge3 = edge_index.reshape(2, _EROWS, 128)
    zrows = jnp.zeros((_ZROWS, _GW), jnp.float32)

    gt = pl.pallas_call(
        _gates_body,
        grid=(pl.cdiv(_N, _GBLK),),
        in_specs=[
            pl.BlockSpec((_GBLK, _DIN), lambda i: (i, 0)),
            pl.BlockSpec((_DIN, _GW), lambda i: (0, 0)),
        ],
        out_specs=pl.BlockSpec((_GW, _GBLK), lambda i: (0, i)),
        out_shape=jax.ShapeDtypeStruct((_GW, _N), jnp.float32),
    )(x, wg_block)

    p0, p1 = _segment_sum_sc(gt.T, edge3, zrows)

    out, attn_t = pl.pallas_call(
        _out_body,
        grid=(pl.cdiv(_N, _OBLK),),
        in_specs=[
            pl.BlockSpec((_OBLK, _DIN), lambda i: (i, 0)),
            pl.BlockSpec((_GW, _OBLK), lambda i: (0, i)),
            pl.BlockSpec((_GW, _OBLK), lambda i: (0, i)),
            pl.BlockSpec((_GW, _DIN), lambda i: (0, 0)),
            pl.BlockSpec((_DIN, _D_OUT), lambda i: (0, 0)),
        ],
        out_specs=[
            pl.BlockSpec((_OBLK, _D_OUT), lambda i: (i, 0)),
            pl.BlockSpec((_GW, _OBLK), lambda i: (0, i)),
        ],
        out_shape=[
            jax.ShapeDtypeStruct((_N, _D_OUT), jnp.float32),
            jax.ShapeDtypeStruct((_GW, _N), jnp.float32),
        ],
    )(x, p0.T, p1.T, expand, wf_block)

    return out, attn_t[:_NG].T[:, :, None]

# --- scband reference (transcript-rebuilt; emitter-appended) ---
"""Pipeline reference for scband-my-attention-module-2559800508945 (READ-ONLY COPY).

The authoritative reference and input builder live on the scoring server;
editing this copy changes nothing except your own understanding.
"""

import jax, jax.numpy as jnp
import numpy as np

N = 100000
E = 1600000
D_OUT = 128
WIDTHS = [12, 6, 5, 6, 5, 1, 1, 1, 1]
OFFS = np.concatenate([[0], np.cumsum(WIDTHS)])


def setup_inputs(seed: int = 0) -> dict:
    key = jax.random.key(seed)
    ks = jax.random.split(key, 3 + 2 * len(WIDTHS))
    x = jax.random.normal(ks[0], (N, 38), dtype=jnp.float32)
    edge_index = jax.random.randint(ks[1], (2, E), 0, N, dtype=jnp.int32)
    batch = jnp.sort(jax.random.randint(ks[2], (N,), 0, 1024, dtype=jnp.int32))
    Wg = [jax.random.normal(ks[3 + i], (w, 1), dtype=jnp.float32) / np.sqrt(w)
          for i, w in enumerate(WIDTHS)]
    Wf = [jax.random.normal(ks[3 + len(WIDTHS) + i], (w, D_OUT), dtype=jnp.float32) / np.sqrt(w)
          for i, w in enumerate(WIDTHS)]
    return {"x": x, "edge_index": edge_index, "batch": batch, "Wg": Wg, "Wf": Wf}


def reference(x, edge_index, batch, Wg, Wf):
    # Each 'gate' is a simple message-passing layer: project source-node slice
    # to a scalar, scatter-add to destination nodes -> per-node logit [N,1].
    src = edge_index[0]
    dst = edge_index[1]
    n = x.shape[0]
    gates = []
    for i in range(len(WIDTHS)):
        xs = x[:, OFFS[i]:OFFS[i + 1]]
        msg = xs[src] @ Wg[i]                       # gather + matmul, [E,1]
        agg = jax.ops.segment_sum(msg, dst, num_segments=n)  # scatter-add, [N,1]
        gates.append(agg)
    logits = jnp.concatenate(gates, axis=-1)        # [N,9]
    attention = jax.nn.softmax(logits, axis=-1)[:, :, None]  # [N,9,1]
    subs = []
    for i in range(len(WIDTHS)):
        xs = x[:, OFFS[i]:OFFS[i + 1]]
        subs.append((xs @ Wf[i]) * attention[:, i])  # [N,128] * [N,1]
    out = jnp.sum(jnp.stack(subs, axis=-2), axis=-2)  # [N,128]
    return out, attention

if __name__ == "__main__":
    import jax
    _d = setup_inputs()
    print(jax.jit(kernel)(*tuple(_d.values())))

</pallas_src>

<mosaic_0001>
#map = affine_map<(d0, d1) -> (0, 0)>
#map1 = affine_map<(d0, d1) -> (0, 0, 0)>
module attributes {stable_mosaic.version = 14 : i64} {
  func.func @seg_sum(%arg0: i32, %arg1: i32, %arg2: memref<100000x16xf32, #tpu.memory_space<hbm>>, %arg3: memref<2x12500x128xi32, #tpu.memory_space<hbm>>, %arg4: memref<6250x16xf32, #tpu.memory_space<hbm>>, %arg5: memref<100000x16xf32, #tpu.memory_space<hbm>>, %arg6: memref<100000x16xf32, #tpu.memory_space<hbm>>, %arg7: memref<100000x16xf32, #tpu.memory_space<vmem_shared>>, %arg8: memref<2x6x128xi32, #tpu.memory_space<vmem>>, %arg9: memref<2x6x128xi32, #tpu.memory_space<vmem>>, %arg10: memref<2x6x128x16xf32, #tpu.memory_space<vmem>>, %arg11: memref<!tpu.dma_semaphore, #tpu.memory_space<semaphore_mem>>, %arg12: memref<!tpu.dma_semaphore, #tpu.memory_space<semaphore_mem>>) attributes {dimension_semantics = [#tpu.dimension_semantics<core_parallel>, #tpu.dimension_semantics<subcore_parallel>], iteration_bounds = array<i64: 2, 16>, scalar_prefetch = 0 : i64, scratch_operands = 6 : i64, tpu.core_type = #tpu.core_type<sc_vector_subcore>, window_params = [{transform_indices = #map}, {transform_indices = #map1}, {transform_indices = #map}, {transform_indices = #map}, {transform_indices = #map}]} {
    %mul3A = arith.constant 6250 : i32
    %mul3A_0 = arith.muli %arg1, %mul3A : i32
    "tpu.region"() ({
      %run_scoped3A_191 = tpu.sem_alloc : memref<!tpu.dma_semaphore, #tpu.memory_space<semaphore_mem>>
      %dma_start3A_192 = arith.constant 0 : i32
      %dma_start3A_193 = tpu.memref_slice %arg7[%mul3A_0, %dma_start3A_192] : memref<100000x16xf32, #tpu.memory_space<vmem_shared>> -> memref<6250x16xf32, #tpu.memory_space<vmem_shared>>
      tpu.enqueue_dma source(%arg4 : memref<6250x16xf32, #tpu.memory_space<hbm>>) target(%dma_start3A_193 : memref<6250x16xf32, #tpu.memory_space<vmem_shared>>) target_semaphore(%run_scoped3A_191 : memref<!tpu.dma_semaphore, #tpu.memory_space<semaphore_mem>>)
      %dma_wait3A_194 = arith.constant 0 : i32
      %dma_wait3A_195 = tpu.memref_slice %arg7[%mul3A_0, %dma_wait3A_194] : memref<100000x16xf32, #tpu.memory_space<vmem_shared>> -> memref<6250x16xf32, #tpu.memory_space<vmem_shared>>
      tpu.wait_dma2 semaphore(%run_scoped3A_191 : memref<!tpu.dma_semaphore, #tpu.memory_space<semaphore_mem>>) src(%arg4 : memref<6250x16xf32, #tpu.memory_space<hbm>>) dst(%dma_wait3A_195 : memref<6250x16xf32, #tpu.memory_space<vmem_shared>>)
      tpu.yield
    }) : () -> ()
    %barrier3A = arith.constant 0 : index
    tpu.barrier barrier_id(%barrier3A)
    %mul3A_1 = arith.constant 16 : i32
    %mul3A_2 = arith.muli %arg0, %mul3A_1 : i32
    %add3A = arith.addi %mul3A_2, %arg1 : i32
    %mul3A_3 = arith.constant 390 : i32
    %mul3A_4 = arith.muli %add3A, %mul3A_3 : i32
    %run_scoped3A = arith.constant 0 : i32
    %run_scoped3A_5 = arith.constant 0 : i32
    "tpu.region"() ({
      %run_scoped3A_191 = tpu.sem_alloc : memref<!tpu.dma_semaphore, #tpu.memory_space<semaphore_mem>>
      %dma_start3A_192 = arith.constant 0 : i32
      %dma_start3A_193 = arith.constant 0 : i32
      %dma_start3A_194 = tpu.memref_slice %arg8[%run_scoped3A_5, %dma_start3A_192, %dma_start3A_193] : memref<2x6x128xi32, #tpu.memory_space<vmem>> -> memref<1x6x128xi32, #tpu.memory_space<vmem>>
      %dma_start3A_195 = tpu.memref_squeeze %dma_start3A_194 : memref<1x6x128xi32, #tpu.memory_space<vmem>> -> memref<6x128xi32, #tpu.memory_space<vmem>>
      %dma_start3A_196 = arith.constant 0 : i32
      %dma_start3A_197 = tpu.memref_slice %arg3[%run_scoped3A, %mul3A_4, %dma_start3A_196] : memref<2x12500x128xi32, #tpu.memory_space<hbm>> -> memref<1x6x128xi32, #tpu.memory_space<hbm>>
      %dma_start3A_198 = tpu.memref_squeeze %dma_start3A_197 : memref<1x6x128xi32, #tpu.memory_space<hbm>> -> memref<6x128xi32, #tpu.memory_space<hbm>>
      %dma_start3A_199 = arith.constant 0 : i32
      %dma_start3A_200 = arith.constant 0 : i32
      %dma_start3A_201 = tpu.memref_slice %arg8[%run_scoped3A_5, %dma_start3A_199, %dma_start3A_200] : memref<2x6x128xi32, #tpu.memory_space<vmem>> -> memref<1x6x128xi32, #tpu.memory_space<vmem>>
      %dma_start3A_202 = tpu.memref_squeeze %dma_start3A_201 : memref<1x6x128xi32, #tpu.memory_space<vmem>> -> memref<6x128xi32, #tpu.memory_space<vmem>>
      %dma_start3A_203 = arith.constant 0 : i32
      %dma_start3A_204 = tpu.memref_slice %arg3[%run_scoped3A, %mul3A_4, %dma_start3A_203] : memref<2x12500x128xi32, #tpu.memory_space<hbm>> -> memref<1x6x128xi32, #tpu.memory_space<hbm>>
      %dma_start3A_205 = tpu.memref_squeeze %dma_start3A_204 : memref<1x6x128xi32, #tpu.memory_space<hbm>> -> memref<6x128xi32, #tpu.memory_space<hbm>>
      tpu.enqueue_dma source(%dma_start3A_205 : memref<6x128xi32, #tpu.memory_space<hbm>>) target(%dma_start3A_202 : memref<6x128xi32, #tpu.memory_space<vmem>>) target_semaphore(%run_scoped3A_191 : memref<!tpu.dma_semaphore, #tpu.memory_space<semaphore_mem>>)
      %dma_wait3A_206 = arith.constant 0 : i32
      %dma_wait3A_207 = arith.constant 0 : i32
      %dma_wait3A_208 = tpu.memref_slice %arg8[%run_scoped3A_5, %dma_wait3A_206, %dma_wait3A_207] : memref<2x6x128xi32, #tpu.memory_space<vmem>> -> memref<1x6x128xi32, #tpu.memory_space<vmem>>
      %dma_wait3A_209 = tpu.memref_squeeze %dma_wait3A_208 : memref<1x6x128xi32, #tpu.memory_space<vmem>> -> memref<6x128xi32, #tpu.memory_space<vmem>>
      %dma_wait3A_210 = arith.constant 0 : i32
      %dma_wait3A_211 = tpu.memref_slice %arg3[%run_scoped3A, %mul3A_4, %dma_wait3A_210] : memref<2x12500x128xi32, #tpu.memory_space<hbm>> -> memref<1x6x128xi32, #tpu.memory_space<hbm>>
      %dma_wait3A_212 = tpu.memref_squeeze %dma_wait3A_211 : memref<1x6x128xi32, #tpu.memory_space<hbm>> -> memref<6x128xi32, #tpu.memory_space<hbm>>
      %dma_wait3A_213 = arith.constant 0 : i32
      %dma_wait3A_214 = arith.constant 0 : i32
      %dma_wait3A_215 = tpu.memref_slice %arg8[%run_scoped3A_5, %dma_wait3A_213, %dma_wait3A_214] : memref<2x6x128xi32, #tpu.memory_space<vmem>> -> memref<1x6x128xi32, #tpu.memory_space<vmem>>
      %dma_wait3A_216 = tpu.memref_squeeze %dma_wait3A_215 : memref<1x6x128xi32, #tpu.memory_space<vmem>> -> memref<6x128xi32, #tpu.memory_space<vmem>>
      %dma_wait3A_217 = arith.constant 0 : i32
      %dma_wait3A_218 = tpu.memref_slice %arg3[%run_scoped3A, %mul3A_4, %dma_wait3A_217] : memref<2x12500x128xi32, #tpu.memory_space<hbm>> -> memref<1x6x128xi32, #tpu.memory_space<hbm>>
      %dma_wait3A_219 = tpu.memref_squeeze %dma_wait3A_218 : memref<1x6x128xi32, #tpu.memory_space<hbm>> -> memref<6x128xi32, #tpu.memory_space<hbm>>
      tpu.wait_dma2 semaphore(%run_scoped3A_191 : memref<!tpu.dma_semaphore, #tpu.memory_space<semaphore_mem>>) src(%dma_wait3A_219 : memref<6x128xi32, #tpu.memory_space<hbm>>) dst(%dma_wait3A_216 : memref<6x128xi32, #tpu.memory_space<vmem>>)
      tpu.yield
    }) : () -> ()
    %run_scoped3A_6 = arith.constant 1 : i32
    %run_scoped3A_7 = arith.constant 0 : i32
    "tpu.region"() ({
      %run_scoped3A_191 = tpu.sem_alloc : memref<!tpu.dma_semaphore, #tpu.memory_space<semaphore_mem>>
      %dma_start3A_192 = arith.constant 0 : i32
      %dma_start3A_193 = arith.constant 0 : i32
      %dma_start3A_194 = tpu.memref_slice %arg9[%run_scoped3A_7, %dma_start3A_192, %dma_start3A_193] : memref<2x6x128xi32, #tpu.memory_space<vmem>> -> memref<1x6x128xi32, #tpu.memory_space<vmem>>
      %dma_start3A_195 = tpu.memref_squeeze %dma_start3A_194 : memref<1x6x128xi32, #tpu.memory_space<vmem>> -> memref<6x128xi32, #tpu.memory_space<vmem>>
      %dma_start3A_196 = arith.constant 0 : i32
      %dma_start3A_197 = tpu.memref_slice %arg3[%run_scoped3A_6, %mul3A_4, %dma_start3A_196] : memref<2x12500x128xi32, #tpu.memory_space<hbm>> -> memref<1x6x128xi32, #tpu.memory_space<hbm>>
      %dma_start3A_198 = tpu.memref_squeeze %dma_start3A_197 : memref<1x6x128xi32, #tpu.memory_space<hbm>> -> memref<6x128xi32, #tpu.memory_space<hbm>>
      %dma_start3A_199 = arith.constant 0 : i32
      %dma_start3A_200 = arith.constant 0 : i32
      %dma_start3A_201 = tpu.memref_slice %arg9[%run_scoped3A_7, %dma_start3A_199, %dma_start3A_200] : memref<2x6x128xi32, #tpu.memory_space<vmem>> -> memref<1x6x128xi32, #tpu.memory_space<vmem>>
      %dma_start3A_202 = tpu.memref_squeeze %dma_start3A_201 : memref<1x6x128xi32, #tpu.memory_space<vmem>> -> memref<6x128xi32, #tpu.memory_space<vmem>>
      %dma_start3A_203 = arith.constant 0 : i32
      %dma_start3A_204 = tpu.memref_slice %arg3[%run_scoped3A_6, %mul3A_4, %dma_start3A_203] : memref<2x12500x128xi32, #tpu.memory_space<hbm>> -> memref<1x6x128xi32, #tpu.memory_space<hbm>>
      %dma_start3A_205 = tpu.memref_squeeze %dma_start3A_204 : memref<1x6x128xi32, #tpu.memory_space<hbm>> -> memref<6x128xi32, #tpu.memory_space<hbm>>
      tpu.enqueue_dma source(%dma_start3A_205 : memref<6x128xi32, #tpu.memory_space<hbm>>) target(%dma_start3A_202 : memref<6x128xi32, #tpu.memory_space<vmem>>) target_semaphore(%run_scoped3A_191 : memref<!tpu.dma_semaphore, #tpu.memory_space<semaphore_mem>>)
      %dma_wait3A_206 = arith.constant 0 : i32
      %dma_wait3A_207 = arith.constant 0 : i32
      %dma_wait3A_208 = tpu.memref_slice %arg9[%run_scoped3A_7, %dma_wait3A_206, %dma_wait3A_207] : memref<2x6x128xi32, #tpu.memory_space<vmem>> -> memref<1x6x128xi32, #tpu.memory_space<vmem>>
      %dma_wait3A_209 = tpu.memref_squeeze %dma_wait3A_208 : memref<1x6x128xi32, #tpu.memory_space<vmem>> -> memref<6x128xi32, #tpu.memory_space<vmem>>
      %dma_wait3A_210 = arith.constant 0 : i32
      %dma_wait3A_211 = tpu.memref_slice %arg3[%run_scoped3A_6, %mul3A_4, %dma_wait3A_210] : memref<2x12500x128xi32, #tpu.memory_space<hbm>> -> memref<1x6x128xi32, #tpu.memory_space<hbm>>
      %dma_wait3A_212 = tpu.memref_squeeze %dma_wait3A_211 : memref<1x6x128xi32, #tpu.memory_space<hbm>> -> memref<6x128xi32, #tpu.memory_space<hbm>>
      %dma_wait3A_213 = arith.constant 0 : i32
      %dma_wait3A_214 = arith.constant 0 : i32
      %dma_wait3A_215 = tpu.memref_slice %arg9[%run_scoped3A_7, %dma_wait3A_213, %dma_wait3A_214] : memref<2x6x128xi32, #tpu.memory_space<vmem>> -> memref<1x6x128xi32, #tpu.memory_space<vmem>>
      %dma_wait3A_216 = tpu.memref_squeeze %dma_wait3A_215 : memref<1x6x128xi32, #tpu.memory_space<vmem>> -> memref<6x128xi32, #tpu.memory_space<vmem>>
      %dma_wait3A_217 = arith.constant 0 : i32
      %dma_wait3A_218 = tpu.memref_slice %arg3[%run_scoped3A_6, %mul3A_4, %dma_wait3A_217] : memref<2x12500x128xi32, #tpu.memory_space<hbm>> -> memref<1x6x128xi32, #tpu.memory_space<hbm>>
      %dma_wait3A_219 = tpu.memref_squeeze %dma_wait3A_218 : memref<1x6x128xi32, #tpu.memory_space<hbm>> -> memref<6x128xi32, #tpu.memory_space<hbm>>
      tpu.wait_dma2 semaphore(%run_scoped3A_191 : memref<!tpu.dma_semaphore, #tpu.memory_space<semaphore_mem>>) src(%dma_wait3A_219 : memref<6x128xi32, #tpu.memory_space<hbm>>) dst(%dma_wait3A_216 : memref<6x128xi32, #tpu.memory_space<vmem>>)
      tpu.yield
    }) : () -> ()
    %dma_start3A = arith.constant 0 : i32
    %dma_start3A_8 = arith.constant 0 : i32
    %dma_start3A_9 = arith.constant 0 : i32
    %dma_start3A_10 = arith.constant 0 : i32
    %dma_start3A_11 = arith.constant 0 : i32
    %dma_start3A_12 = arith.constant 0 : i32
    %dma_start3A_13 = tpu.memref_slice %arg10[%dma_start3A_9, %dma_start3A_10, %dma_start3A_11, %dma_start3A_12] : memref<2x6x128x16xf32, #tpu.memory_space<vmem>> -> memref<1x1x128x16xf32, #tpu.memory_space<vmem>>
    %dma_start3A_14 = tpu.memref_squeeze %dma_start3A_13 : memref<1x1x128x16xf32, #tpu.memory_space<vmem>> -> memref<128x16xf32, #tpu.memory_space<vmem>>
    %dma_start3A_15 = arith.constant 0 : i32
    %dma_start3A_16 = tpu.memref_slice %arg8[%dma_start3A, %dma_start3A_8, %dma_start3A_15] : memref<2x6x128xi32, #tpu.memory_space<vmem>> -> memref<1x1x128xi32, #tpu.memory_space<vmem>>
    %dma_start3A_17 = tpu.memref_squeeze %dma_start3A_16 : memref<1x1x128xi32, #tpu.memory_space<vmem>> -> memref<128xi32, #tpu.memory_space<vmem>>
    %dma_start3A_18 = arith.constant 0 : i32
    %dma_start3A_19 = arith.constant 0 : i32
    %dma_start3A_20 = tpu.memref_slice %arg2[%dma_start3A_18, %dma_start3A_19] : memref<100000x16xf32, #tpu.memory_space<hbm>> -> memref<100000x16xf32, #tpu.memory_space<hbm>>
    tpu.enqueue_indirect_dma source(%dma_start3A_20 : memref<100000x16xf32, #tpu.memory_space<hbm>>) target(%dma_start3A_14 : memref<128x16xf32, #tpu.memory_space<vmem>>) offsets(%dma_start3A_17 : memref<128xi32, #tpu.memory_space<vmem>>) semaphore(%arg11 : memref<!tpu.dma_semaphore, #tpu.memory_space<semaphore_mem>>)
    %dma_start3A_21 = arith.constant 0 : i32
    %dma_start3A_22 = arith.constant 1 : i32
    %dma_start3A_23 = arith.constant 0 : i32
    %dma_start3A_24 = arith.constant 1 : i32
    %dma_start3A_25 = arith.constant 0 : i32
    %dma_start3A_26 = arith.constant 0 : i32
    %dma_start3A_27 = tpu.memref_slice %arg10[%dma_start3A_23, %dma_start3A_24, %dma_start3A_25, %dma_start3A_26] : memref<2x6x128x16xf32, #tpu.memory_space<vmem>> -> memref<1x1x128x16xf32, #tpu.memory_space<vmem>>
    %dma_start3A_28 = tpu.memref_squeeze %dma_start3A_27 : memref<1x1x128x16xf32, #tpu.memory_space<vmem>> -> memref<128x16xf32, #tpu.memory_space<vmem>>
    %dma_start3A_29 = arith.constant 0 : i32
    %dma_start3A_30 = tpu.memref_slice %arg8[%dma_start3A_21, %dma_start3A_22, %dma_start3A_29] : memref<2x6x128xi32, #tpu.memory_space<vmem>> -> memref<1x1x128xi32, #tpu.memory_space<vmem>>
    %dma_start3A_31 = tpu.memref_squeeze %dma_start3A_30 : memref<1x1x128xi32, #tpu.memory_space<vmem>> -> memref<128xi32, #tpu.memory_space<vmem>>
    %dma_start3A_32 = arith.constant 0 : i32
    %dma_start3A_33 = arith.constant 0 : i32
    %dma_start3A_34 = tpu.memref_slice %arg2[%dma_start3A_32, %dma_start3A_33] : memref<100000x16xf32, #tpu.memory_space<hbm>> -> memref<100000x16xf32, #tpu.memory_space<hbm>>
    tpu.enqueue_indirect_dma source(%dma_start3A_34 : memref<100000x16xf32, #tpu.memory_space<hbm>>) target(%dma_start3A_28 : memref<128x16xf32, #tpu.memory_space<vmem>>) offsets(%dma_start3A_31 : memref<128xi32, #tpu.memory_space<vmem>>) semaphore(%arg11 : memref<!tpu.dma_semaphore, #tpu.memory_space<semaphore_mem>>)
    %dma_start3A_35 = arith.constant 0 : i32
    %dma_start3A_36 = arith.constant 2 : i32
    %dma_start3A_37 = arith.constant 0 : i32
    %dma_start3A_38 = arith.constant 2 : i32
    %dma_start3A_39 = arith.constant 0 : i32
    %dma_start3A_40 = arith.constant 0 : i32
    %dma_start3A_41 = tpu.memref_slice %arg10[%dma_start3A_37, %dma_start3A_38, %dma_start3A_39, %dma_start3A_40] : memref<2x6x128x16xf32, #tpu.memory_space<vmem>> -> memref<1x1x128x16xf32, #tpu.memory_space<vmem>>
    %dma_start3A_42 = tpu.memref_squeeze %dma_start3A_41 : memref<1x1x128x16xf32, #tpu.memory_space<vmem>> -> memref<128x16xf32, #tpu.memory_space<vmem>>
    %dma_start3A_43 = arith.constant 0 : i32
    %dma_start3A_44 = tpu.memref_slice %arg8[%dma_start3A_35, %dma_start3A_36, %dma_start3A_43] : memref<2x6x128xi32, #tpu.memory_space<vmem>> -> memref<1x1x128xi32, #tpu.memory_space<vmem>>
    %dma_start3A_45 = tpu.memref_squeeze %dma_start3A_44 : memref<1x1x128xi32, #tpu.memory_space<vmem>> -> memref<128xi32, #tpu.memory_space<vmem>>
    %dma_start3A_46 = arith.constant 0 : i32
    %dma_start3A_47 = arith.constant 0 : i32
    %dma_start3A_48 = tpu.memref_slice %arg2[%dma_start3A_46, %dma_start3A_47] : memref<100000x16xf32, #tpu.memory_space<hbm>> -> memref<100000x16xf32, #tpu.memory_space<hbm>>
    tpu.enqueue_indirect_dma source(%dma_start3A_48 : memref<100000x16xf32, #tpu.memory_space<hbm>>) target(%dma_start3A_42 : memref<128x16xf32, #tpu.memory_space<vmem>>) offsets(%dma_start3A_45 : memref<128xi32, #tpu.memory_space<vmem>>) semaphore(%arg11 : memref<!tpu.dma_semaphore, #tpu.memory_space<semaphore_mem>>)
    %dma_start3A_49 = arith.constant 0 : i32
    %dma_start3A_50 = arith.constant 3 : i32
    %dma_start3A_51 = arith.constant 0 : i32
    %dma_start3A_52 = arith.constant 3 : i32
    %dma_start3A_53 = arith.constant 0 : i32
    %dma_start3A_54 = arith.constant 0 : i32
    %dma_start3A_55 = tpu.memref_slice %arg10[%dma_start3A_51, %dma_start3A_52, %dma_start3A_53, %dma_start3A_54] : memref<2x6x128x16xf32, #tpu.memory_space<vmem>> -> memref<1x1x128x16xf32, #tpu.memory_space<vmem>>
    %dma_start3A_56 = tpu.memref_squeeze %dma_start3A_55 : memref<1x1x128x16xf32, #tpu.memory_space<vmem>> -> memref<128x16xf32, #tpu.memory_space<vmem>>
    %dma_start3A_57 = arith.constant 0 : i32
    %dma_start3A_58 = tpu.memref_slice %arg8[%dma_start3A_49, %dma_start3A_50, %dma_start3A_57] : memref<2x6x128xi32, #tpu.memory_space<vmem>> -> memref<1x1x128xi32, #tpu.memory_space<vmem>>
    %dma_start3A_59 = tpu.memref_squeeze %dma_start3A_58 : memref<1x1x128xi32, #tpu.memory_space<vmem>> -> memref<128xi32, #tpu.memory_space<vmem>>
    %dma_start3A_60 = arith.constant 0 : i32
    %dma_start3A_61 = arith.constant 0 : i32
    %dma_start3A_62 = tpu.memref_slice %arg2[%dma_start3A_60, %dma_start3A_61] : memref<100000x16xf32, #tpu.memory_space<hbm>> -> memref<100000x16xf32, #tpu.memory_space<hbm>>
    tpu.enqueue_indirect_dma source(%dma_start3A_62 : memref<100000x16xf32, #tpu.memory_space<hbm>>) target(%dma_start3A_56 : memref<128x16xf32, #tpu.memory_space<vmem>>) offsets(%dma_start3A_59 : memref<128xi32, #tpu.memory_space<vmem>>) semaphore(%arg11 : memref<!tpu.dma_semaphore, #tpu.memory_space<semaphore_mem>>)
    %dma_start3A_63 = arith.constant 0 : i32
    %dma_start3A_64 = arith.constant 4 : i32
    %dma_start3A_65 = arith.constant 0 : i32
    %dma_start3A_66 = arith.constant 4 : i32
    %dma_start3A_67 = arith.constant 0 : i32
    %dma_start3A_68 = arith.constant 0 : i32
    %dma_start3A_69 = tpu.memref_slice %arg10[%dma_start3A_65, %dma_start3A_66, %dma_start3A_67, %dma_start3A_68] : memref<2x6x128x16xf32, #tpu.memory_space<vmem>> -> memref<1x1x128x16xf32, #tpu.memory_space<vmem>>
    %dma_start3A_70 = tpu.memref_squeeze %dma_start3A_69 : memref<1x1x128x16xf32, #tpu.memory_space<vmem>> -> memref<128x16xf32, #tpu.memory_space<vmem>>
    %dma_start3A_71 = arith.constant 0 : i32
    %dma_start3A_72 = tpu.memref_slice %arg8[%dma_start3A_63, %dma_start3A_64, %dma_start3A_71] : memref<2x6x128xi32, #tpu.memory_space<vmem>> -> memref<1x1x128xi32, #tpu.memory_space<vmem>>
    %dma_start3A_73 = tpu.memref_squeeze %dma_start3A_72 : memref<1x1x128xi32, #tpu.memory_space<vmem>> -> memref<128xi32, #tpu.memory_space<vmem>>
    %dma_start3A_74 = arith.constant 0 : i32
    %dma_start3A_75 = arith.constant 0 : i32
    %dma_start3A_76 = tpu.memref_slice %arg2[%dma_start3A_74, %dma_start3A_75] : memref<100000x16xf32, #tpu.memory_space<hbm>> -> memref<100000x16xf32, #tpu.memory_space<hbm>>
    tpu.enqueue_indirect_dma source(%dma_start3A_76 : memref<100000x16xf32, #tpu.memory_space<hbm>>) target(%dma_start3A_70 : memref<128x16xf32, #tpu.memory_space<vmem>>) offsets(%dma_start3A_73 : memref<128xi32, #tpu.memory_space<vmem>>) semaphore(%arg11 : memref<!tpu.dma_semaphore, #tpu.memory_space<semaphore_mem>>)
    %dma_start3A_77 = arith.constant 0 : i32
    %dma_start3A_78 = arith.constant 5 : i32
    %dma_start3A_79 = arith.constant 0 : i32
    %dma_start3A_80 = arith.constant 5 : i32
    %dma_start3A_81 = arith.constant 0 : i32
    %dma_start3A_82 = arith.constant 0 : i32
    %dma_start3A_83 = tpu.memref_slice %arg10[%dma_start3A_79, %dma_start3A_80, %dma_start3A_81, %dma_start3A_82] : memref<2x6x128x16xf32, #tpu.memory_space<vmem>> -> memref<1x1x128x16xf32, #tpu.memory_space<vmem>>
    %dma_start3A_84 = tpu.memref_squeeze %dma_start3A_83 : memref<1x1x128x16xf32, #tpu.memory_space<vmem>> -> memref<128x16xf32, #tpu.memory_space<vmem>>
    %dma_start3A_85 = arith.constant 0 : i32
    %dma_start3A_86 = tpu.memref_slice %arg8[%dma_start3A_77, %dma_start3A_78, %dma_start3A_85] : memref<2x6x128xi32, #tpu.memory_space<vmem>> -> memref<1x1x128xi32, #tpu.memory_space<vmem>>
    %dma_start3A_87 = tpu.memref_squeeze %dma_start3A_86 : memref<1x1x128xi32, #tpu.memory_space<vmem>> -> memref<128xi32, #tpu.memory_space<vmem>>
    %dma_start3A_88 = arith.constant 0 : i32
    %dma_start3A_89 = arith.constant 0 : i32
    %dma_start3A_90 = tpu.memref_slice %arg2[%dma_start3A_88, %dma_start3A_89] : memref<100000x16xf32, #tpu.memory_space<hbm>> -> memref<100000x16xf32, #tpu.memory_space<hbm>>
    tpu.enqueue_indirect_dma source(%dma_start3A_90 : memref<100000x16xf32, #tpu.memory_space<hbm>>) target(%dma_start3A_84 : memref<128x16xf32, #tpu.memory_space<vmem>>) offsets(%dma_start3A_87 : memref<128xi32, #tpu.memory_space<vmem>>) semaphore(%arg11 : memref<!tpu.dma_semaphore, #tpu.memory_space<semaphore_mem>>)
    %scan3A = arith.constant 0 : i32
    %scan3A_91 = arith.constant 0 : i32
    %scan3A_92 = arith.constant 65 : i32
    %scan3A_93 = arith.addi %scan3A_91, %scan3A_92 : i32
    %scan3A_94 = arith.constant 1 : i32
    scf.for %scan3A_191 = %scan3A_91 to %scan3A_93 step %scan3A_94  : i32 {
      %rem3A = arith.constant 2 : i32
      %rem3A_192 = arith.remsi %scan3A_191, %rem3A : i32
      %dma_wait3A_193 = arith.constant 0 : i32
      %dma_wait3A_194 = arith.constant 0 : i32
      %dma_wait3A_195 = arith.constant 0 : i32
      %dma_wait3A_196 = arith.constant 0 : i32
      %dma_wait3A_197 = tpu.memref_slice %arg10[%rem3A_192, %dma_wait3A_194, %dma_wait3A_195, %dma_wait3A_196] : memref<2x6x128x16xf32, #tpu.memory_space<vmem>> -> memref<1x1x128x16xf32, #tpu.memory_space<vmem>>
      %dma_wait3A_198 = tpu.memref_squeeze %dma_wait3A_197 : memref<1x1x128x16xf32, #tpu.memory_space<vmem>> -> memref<128x16xf32, #tpu.memory_space<vmem>>
      %dma_wait3A_199 = arith.constant 0 : i32
      %dma_wait3A_200 = tpu.memref_slice %arg8[%rem3A_192, %dma_wait3A_193, %dma_wait3A_199] : memref<2x6x128xi32, #tpu.memory_space<vmem>> -> memref<1x1x128xi32, #tpu.memory_space<vmem>>
      %dma_wait3A_201 = tpu.memref_squeeze %dma_wait3A_200 : memref<1x1x128xi32, #tpu.memory_space<vmem>> -> memref<128xi32, #tpu.memory_space<vmem>>
      %dma_wait3A_202 = arith.constant 0 : i32
      %dma_wait3A_203 = arith.constant 0 : i32
      %dma_wait3A_204 = tpu.memref_slice %arg2[%dma_wait3A_202, %dma_wait3A_203] : memref<100000x16xf32, #tpu.memory_space<hbm>> -> memref<100000x16xf32, #tpu.memory_space<hbm>>
      tpu.wait_indirect_dma semaphore(%arg11 : memref<!tpu.dma_semaphore, #tpu.memory_space<semaphore_mem>>) src(%dma_wait3A_204 : memref<100000x16xf32, #tpu.memory_space<hbm>>) dst(%dma_wait3A_198 : memref<128x16xf32, #tpu.memory_space<vmem>>)
      %dma_wait3A_205 = arith.constant 1 : i32
      %dma_wait3A_206 = arith.constant 1 : i32
      %dma_wait3A_207 = arith.constant 0 : i32
      %dma_wait3A_208 = arith.constant 0 : i32
      %dma_wait3A_209 = tpu.memref_slice %arg10[%rem3A_192, %dma_wait3A_206, %dma_wait3A_207, %dma_wait3A_208] : memref<2x6x128x16xf32, #tpu.memory_space<vmem>> -> memref<1x1x128x16xf32, #tpu.memory_space<vmem>>
      %dma_wait3A_210 = tpu.memref_squeeze %dma_wait3A_209 : memref<1x1x128x16xf32, #tpu.memory_space<vmem>> -> memref<128x16xf32, #tpu.memory_space<vmem>>
      %dma_wait3A_211 = arith.constant 0 : i32
      %dma_wait3A_212 = tpu.memref_slice %arg8[%rem3A_192, %dma_wait3A_205, %dma_wait3A_211] : memref<2x6x128xi32, #tpu.memory_space<vmem>> -> memref<1x1x128xi32, #tpu.memory_space<vmem>>
      %dma_wait3A_213 = tpu.memref_squeeze %dma_wait3A_212 : memref<1x1x128xi32, #tpu.memory_space<vmem>> -> memref<128xi32, #tpu.memory_space<vmem>>
      %dma_wait3A_214 = arith.constant 0 : i32
      %dma_wait3A_215 = arith.constant 0 : i32
      %dma_wait3A_216 = tpu.memref_slice %arg2[%dma_wait3A_214, %dma_wait3A_215] : memref<100000x16xf32, #tpu.memory_space<hbm>> -> memref<100000x16xf32, #tpu.memory_space<hbm>>
      tpu.wait_indirect_dma semaphore(%arg11 : memref<!tpu.dma_semaphore, #tpu.memory_space<semaphore_mem>>) src(%dma_wait3A_216 : memref<100000x16xf32, #tpu.memory_space<hbm>>) dst(%dma_wait3A_210 : memref<128x16xf32, #tpu.memory_space<vmem>>)
      %dma_wait3A_217 = arith.constant 2 : i32
      %dma_wait3A_218 = arith.constant 2 : i32
      %dma_wait3A_219 = arith.constant 0 : i32
      %dma_wait3A_220 = arith.constant 0 : i32
      %dma_wait3A_221 = tpu.memref_slice %arg10[%rem3A_192, %dma_wait3A_218, %dma_wait3A_219, %dma_wait3A_220] : memref<2x6x128x16xf32, #tpu.memory_space<vmem>> -> memref<1x1x128x16xf32, #tpu.memory_space<vmem>>
      %dma_wait3A_222 = tpu.memref_squeeze %dma_wait3A_221 : memref<1x1x128x16xf32, #tpu.memory_space<vmem>> -> memref<128x16xf32, #tpu.memory_space<vmem>>
      %dma_wait3A_223 = arith.constant 0 : i32
      %dma_wait3A_224 = tpu.memref_slice %arg8[%rem3A_192, %dma_wait3A_217, %dma_wait3A_223] : memref<2x6x128xi32, #tpu.memory_space<vmem>> -> memref<1x1x128xi32, #tpu.memory_space<vmem>>
      %dma_wait3A_225 = tpu.memref_squeeze %dma_wait3A_224 : memref<1x1x128xi32, #tpu.memory_space<vmem>> -> memref<128xi32, #tpu.memory_space<vmem>>
      %dma_wait3A_226 = arith.constant 0 : i32
      %dma_wait3A_227 = arith.constant 0 : i32
      %dma_wait3A_228 = tpu.memref_slice %arg2[%dma_wait3A_226, %dma_wait3A_227] : memref<100000x16xf32, #tpu.memory_space<hbm>> -> memref<100000x16xf32, #tpu.memory_space<hbm>>
      tpu.wait_indirect_dma semaphore(%arg11 : memref<!tpu.dma_semaphore, #tpu.memory_space<semaphore_mem>>) src(%dma_wait3A_228 : memref<100000x16xf32, #tpu.memory_space<hbm>>) dst(%dma_wait3A_222 : memref<128x16xf32, #tpu.memory_space<vmem>>)
      %dma_wait3A_229 = arith.constant 3 : i32
      %dma_wait3A_230 = arith.constant 3 : i32
      %dma_wait3A_231 = arith.constant 0 : i32
      %dma_wait3A_232 = arith.constant 0 : i32
      %dma_wait3A_233 = tpu.memref_slice %arg10[%rem3A_192, %dma_wait3A_230, %dma_wait3A_231, %dma_wait3A_232] : memref<2x6x128x16xf32, #tpu.memory_space<vmem>> -> memref<1x1x128x16xf32, #tpu.memory_space<vmem>>
      %dma_wait3A_234 = tpu.memref_squeeze %dma_wait3A_233 : memref<1x1x128x16xf32, #tpu.memory_space<vmem>> -> memref<128x16xf32, #tpu.memory_space<vmem>>
      %dma_wait3A_235 = arith.constant 0 : i32
      %dma_wait3A_236 = tpu.memref_slice %arg8[%rem3A_192, %dma_wait3A_229, %dma_wait3A_235] : memref<2x6x128xi32, #tpu.memory_space<vmem>> -> memref<1x1x128xi32, #tpu.memory_space<vmem>>
      %dma_wait3A_237 = tpu.memref_squeeze %dma_wait3A_236 : memref<1x1x128xi32, #tpu.memory_space<vmem>> -> memref<128xi32, #tpu.memory_space<vmem>>
      %dma_wait3A_238 = arith.constant 0 : i32
      %dma_wait3A_239 = arith.constant 0 : i32
      %dma_wait3A_240 = tpu.memref_slice %arg2[%dma_wait3A_238, %dma_wait3A_239] : memref<100000x16xf32, #tpu.memory_space<hbm>> -> memref<100000x16xf32, #tpu.memory_space<hbm>>
      tpu.wait_indirect_dma semaphore(%arg11 : memref<!tpu.dma_semaphore, #tpu.memory_space<semaphore_mem>>) src(%dma_wait3A_240 : memref<100000x16xf32, #tpu.memory_space<hbm>>) dst(%dma_wait3A_234 : memref<128x16xf32, #tpu.memory_space<vmem>>)
      %dma_wait3A_241 = arith.constant 4 : i32
      %dma_wait3A_242 = arith.constant 4 : i32
      %dma_wait3A_243 = arith.constant 0 : i32
      %dma_wait3A_244 = arith.constant 0 : i32
      %dma_wait3A_245 = tpu.memref_slice %arg10[%rem3A_192, %dma_wait3A_242, %dma_wait3A_243, %dma_wait3A_244] : memref<2x6x128x16xf32, #tpu.memory_space<vmem>> -> memref<1x1x128x16xf32, #tpu.memory_space<vmem>>
      %dma_wait3A_246 = tpu.memref_squeeze %dma_wait3A_245 : memref<1x1x128x16xf32, #tpu.memory_space<vmem>> -> memref<128x16xf32, #tpu.memory_space<vmem>>
      %dma_wait3A_247 = arith.constant 0 : i32
      %dma_wait3A_248 = tpu.memref_slice %arg8[%rem3A_192, %dma_wait3A_241, %dma_wait3A_247] : memref<2x6x128xi32, #tpu.memory_space<vmem>> -> memref<1x1x128xi32, #tpu.memory_space<vmem>>
      %dma_wait3A_249 = tpu.memref_squeeze %dma_wait3A_248 : memref<1x1x128xi32, #tpu.memory_space<vmem>> -> memref<128xi32, #tpu.memory_space<vmem>>
      %dma_wait3A_250 = arith.constant 0 : i32
      %dma_wait3A_251 = arith.constant 0 : i32
      %dma_wait3A_252 = tpu.memref_slice %arg2[%dma_wait3A_250, %dma_wait3A_251] : memref<100000x16xf32, #tpu.memory_space<hbm>> -> memref<100000x16xf32, #tpu.memory_space<hbm>>
      tpu.wait_indirect_dma semaphore(%arg11 : memref<!tpu.dma_semaphore, #tpu.memory_space<semaphore_mem>>) src(%dma_wait3A_252 : memref<100000x16xf32, #tpu.memory_space<hbm>>) dst(%dma_wait3A_246 : memref<128x16xf32, #tpu.memory_space<vmem>>)
      %dma_wait3A_253 = arith.constant 5 : i32
      %dma_wait3A_254 = arith.constant 5 : i32
      %dma_wait3A_255 = arith.constant 0 : i32
      %dma_wait3A_256 = arith.constant 0 : i32
      %dma_wait3A_257 = tpu.memref_slice %arg10[%rem3A_192, %dma_wait3A_254, %dma_wait3A_255, %dma_wait3A_256] : memref<2x6x128x16xf32, #tpu.memory_space<vmem>> -> memref<1x1x128x16xf32, #tpu.memory_space<vmem>>
      %dma_wait3A_258 = tpu.memref_squeeze %dma_wait3A_257 : memref<1x1x128x16xf32, #tpu.memory_space<vmem>> -> memref<128x16xf32, #tpu.memory_space<vmem>>
      %dma_wait3A_259 = arith.constant 0 : i32
      %dma_wait3A_260 = tpu.memref_slice %arg8[%rem3A_192, %dma_wait3A_253, %dma_wait3A_259] : memref<2x6x128xi32, #tpu.memory_space<vmem>> -> memref<1x1x128xi32, #tpu.memory_space<vmem>>
      %dma_wait3A_261 = tpu.memref_squeeze %dma_wait3A_260 : memref<1x1x128xi32, #tpu.memory_space<vmem>> -> memref<128xi32, #tpu.memory_space<vmem>>
      %dma_wait3A_262 = arith.constant 0 : i32
      %dma_wait3A_263 = arith.constant 0 : i32
      %dma_wait3A_264 = tpu.memref_slice %arg2[%dma_wait3A_262, %dma_wait3A_263] : memref<100000x16xf32, #tpu.memory_space<hbm>> -> memref<100000x16xf32, #tpu.memory_space<hbm>>
      tpu.wait_indirect_dma semaphore(%arg11 : memref<!tpu.dma_semaphore, #tpu.memory_space<semaphore_mem>>) src(%dma_wait3A_264 : memref<100000x16xf32, #tpu.memory_space<hbm>>) dst(%dma_wait3A_258 : memref<128x16xf32, #tpu.memory_space<vmem>>)
      %ge3A = arith.constant 1 : i32
      %ge3A_265 = arith.cmpi sge, %scan3A_191, %ge3A : i32
      %convert_element_type3A_266 = arith.extui %ge3A_265 : i1 to i32
      %cond3A_267 = arith.constant 0 : i32
      %cond3A_268 = arith.cmpi ne, %convert_element_type3A_266, %cond3A_267 : i32
      scf.if %cond3A_268 {
        %sub3A = arith.constant 1 : i32
        %sub3A_348 = arith.subi %sub3A, %rem3A_192 : i32
        %sub3A_349 = arith.constant 1 : i32
        %sub3A_350 = arith.subi %sub3A_349, %rem3A_192 : i32
        %dma_wait3A_351 = arith.constant 0 : i32
        %dma_wait3A_352 = arith.constant 0 : i32
        %dma_wait3A_353 = arith.constant 0 : i32
        %dma_wait3A_354 = arith.constant 0 : i32
        %dma_wait3A_355 = tpu.memref_slice %arg10[%sub3A_348, %dma_wait3A_351, %dma_wait3A_353, %dma_wait3A_354] : memref<2x6x128x16xf32, #tpu.memory_space<vmem>> -> memref<1x1x128x16xf32, #tpu.memory_space<vmem>>
        %dma_wait3A_356 = tpu.memref_squeeze %dma_wait3A_355 : memref<1x1x128x16xf32, #tpu.memory_space<vmem>> -> memref<128x16xf32, #tpu.memory_space<vmem>>
        %dma_wait3A_357 = arith.constant 0 : i32
        %dma_wait3A_358 = tpu.memref_slice %arg9[%sub3A_350, %dma_wait3A_352, %dma_wait3A_357] : memref<2x6x128xi32, #tpu.memory_space<vmem>> -> memref<1x1x128xi32, #tpu.memory_space<vmem>>
        %dma_wait3A_359 = tpu.memref_squeeze %dma_wait3A_358 : memref<1x1x128xi32, #tpu.memory_space<vmem>> -> memref<128xi32, #tpu.memory_space<vmem>>
        %dma_wait3A_360 = arith.constant 0 : i32
        %dma_wait3A_361 = arith.constant 0 : i32
        %dma_wait3A_362 = tpu.memref_slice %arg7[%dma_wait3A_360, %dma_wait3A_361] : memref<100000x16xf32, #tpu.memory_space<vmem_shared>> -> memref<100000x16xf32, #tpu.memory_space<vmem_shared>>
        tpu.wait_indirect_dma semaphore(%arg12 : memref<!tpu.dma_semaphore, #tpu.memory_space<semaphore_mem>>) src(%dma_wait3A_356 : memref<128x16xf32, #tpu.memory_space<vmem>>) dst(%dma_wait3A_362 : memref<100000x16xf32, #tpu.memory_space<vmem_shared>>)
        %sub3A_363 = arith.constant 1 : i32
        %sub3A_364 = arith.subi %sub3A_363, %rem3A_192 : i32
        %sub3A_365 = arith.constant 1 : i32
        %sub3A_366 = arith.subi %sub3A_365, %rem3A_192 : i32
        %dma_wait3A_367 = arith.constant 1 : i32
        %dma_wait3A_368 = arith.constant 1 : i32
        %dma_wait3A_369 = arith.constant 0 : i32
        %dma_wait3A_370 = arith.constant 0 : i32
        %dma_wait3A_371 = tpu.memref_slice %arg10[%sub3A_364, %dma_wait3A_367, %dma_wait3A_369, %dma_wait3A_370] : memref<2x6x128x16xf32, #tpu.memory_space<vmem>> -> memref<1x1x128x16xf32, #tpu.memory_space<vmem>>
        %dma_wait3A_372 = tpu.memref_squeeze %dma_wait3A_371 : memref<1x1x128x16xf32, #tpu.memory_space<vmem>> -> memref<128x16xf32, #tpu.memory_space<vmem>>
        %dma_wait3A_373 = arith.constant 0 : i32
        %dma_wait3A_374 = tpu.memref_slice %arg9[%sub3A_366, %dma_wait3A_368, %dma_wait3A_373] : memref<2x6x128xi32, #tpu.memory_space<vmem>> -> memref<1x1x128xi32, #tpu.memory_space<vmem>>
        %dma_wait3A_375 = tpu.memref_squeeze %dma_wait3A_374 : memref<1x1x128xi32, #tpu.memory_space<vmem>> -> memref<128xi32, #tpu.memory_space<vmem>>
        %dma_wait3A_376 = arith.constant 0 : i32
        %dma_wait3A_377 = arith.constant 0 : i32
        %dma_wait3A_378 = tpu.memref_slice %arg7[%dma_wait3A_376, %dma_wait3A_377] : memref<100000x16xf32, #tpu.memory_space<vmem_shared>> -> memref<100000x16xf32, #tpu.memory_space<vmem_shared>>
        tpu.wait_indirect_dma semaphore(%arg12 : memref<!tpu.dma_semaphore, #tpu.memory_space<semaphore_mem>>) src(%dma_wait3A_372 : memref<128x16xf32, #tpu.memory_space<vmem>>) dst(%dma_wait3A_378 : memref<100000x16xf32, #tpu.memory_space<vmem_shared>>)
        %sub3A_379 = arith.constant 1 : i32
        %sub3A_380 = arith.subi %sub3A_379, %rem3A_192 : i32
        %sub3A_381 = arith.constant 1 : i32
        %sub3A_382 = arith.subi %sub3A_381, %rem3A_192 : i32
        %dma_wait3A_383 = arith.constant 2 : i32
        %dma_wait3A_384 = arith.constant 2 : i32
        %dma_wait3A_385 = arith.constant 0 : i32
        %dma_wait3A_386 = arith.constant 0 : i32
        %dma_wait3A_387 = tpu.memref_slice %arg10[%sub3A_380, %dma_wait3A_383, %dma_wait3A_385, %dma_wait3A_386] : memref<2x6x128x16xf32, #tpu.memory_space<vmem>> -> memref<1x1x128x16xf32, #tpu.memory_space<vmem>>
        %dma_wait3A_388 = tpu.memref_squeeze %dma_wait3A_387 : memref<1x1x128x16xf32, #tpu.memory_space<vmem>> -> memref<128x16xf32, #tpu.memory_space<vmem>>
        %dma_wait3A_389 = arith.constant 0 : i32
        %dma_wait3A_390 = tpu.memref_slice %arg9[%sub3A_382, %dma_wait3A_384, %dma_wait3A_389] : memref<2x6x128xi32, #tpu.memory_space<vmem>> -> memref<1x1x128xi32, #tpu.memory_space<vmem>>
        %dma_wait3A_391 = tpu.memref_squeeze %dma_wait3A_390 : memref<1x1x128xi32, #tpu.memory_space<vmem>> -> memref<128xi32, #tpu.memory_space<vmem>>
        %dma_wait3A_392 = arith.constant 0 : i32
        %dma_wait3A_393 = arith.constant 0 : i32
        %dma_wait3A_394 = tpu.memref_slice %arg7[%dma_wait3A_392, %dma_wait3A_393] : memref<100000x16xf32, #tpu.memory_space<vmem_shared>> -> memref<100000x16xf32, #tpu.memory_space<vmem_shared>>
        tpu.wait_indirect_dma semaphore(%arg12 : memref<!tpu.dma_semaphore, #tpu.memory_space<semaphore_mem>>) src(%dma_wait3A_388 : memref<128x16xf32, #tpu.memory_space<vmem>>) dst(%dma_wait3A_394 : memref<100000x16xf32, #tpu.memory_space<vmem_shared>>)
        %sub3A_395 = arith.constant 1 : i32
        %sub3A_396 = arith.subi %sub3A_395, %rem3A_192 : i32
        %sub3A_397 = arith.constant 1 : i32
        %sub3A_398 = arith.subi %sub3A_397, %rem3A_192 : i32
        %dma_wait3A_399 = arith.constant 3 : i32
        %dma_wait3A_400 = arith.constant 3 : i32
        %dma_wait3A_401 = arith.constant 0 : i32
        %dma_wait3A_402 = arith.constant 0 : i32
        %dma_wait3A_403 = tpu.memref_slice %arg10[%sub3A_396, %dma_wait3A_399, %dma_wait3A_401, %dma_wait3A_402] : memref<2x6x128x16xf32, #tpu.memory_space<vmem>> -> memref<1x1x128x16xf32, #tpu.memory_space<vmem>>
        %dma_wait3A_404 = tpu.memref_squeeze %dma_wait3A_403 : memref<1x1x128x16xf32, #tpu.memory_space<vmem>> -> memref<128x16xf32, #tpu.memory_space<vmem>>
        %dma_wait3A_405 = arith.constant 0 : i32
        %dma_wait3A_406 = tpu.memref_slice %arg9[%sub3A_398, %dma_wait3A_400, %dma_wait3A_405] : memref<2x6x128xi32, #tpu.memory_space<vmem>> -> memref<1x1x128xi32, #tpu.memory_space<vmem>>
        %dma_wait3A_407 = tpu.memref_squeeze %dma_wait3A_406 : memref<1x1x128xi32, #tpu.memory_space<vmem>> -> memref<128xi32, #tpu.memory_space<vmem>>
        %dma_wait3A_408 = arith.constant 0 : i32
        %dma_wait3A_409 = arith.constant 0 : i32
        %dma_wait3A_410 = tpu.memref_slice %arg7[%dma_wait3A_408, %dma_wait3A_409] : memref<100000x16xf32, #tpu.memory_space<vmem_shared>> -> memref<100000x16xf32, #tpu.memory_space<vmem_shared>>
        tpu.wait_indirect_dma semaphore(%arg12 : memref<!tpu.dma_semaphore, #tpu.memory_space<semaphore_mem>>) src(%dma_wait3A_404 : memref<128x16xf32, #tpu.memory_space<vmem>>) dst(%dma_wait3A_410 : memref<100000x16xf32, #tpu.memory_space<vmem_shared>>)
        %sub3A_411 = arith.constant 1 : i32
        %sub3A_412 = arith.subi %sub3A_411, %rem3A_192 : i32
        %sub3A_413 = arith.constant 1 : i32
        %sub3A_414 = arith.subi %sub3A_413, %rem3A_192 : i32
        %dma_wait3A_415 = arith.constant 4 : i32
        %dma_wait3A_416 = arith.constant 4 : i32
        %dma_wait3A_417 = arith.constant 0 : i32
        %dma_wait3A_418 = arith.constant 0 : i32
        %dma_wait3A_419 = tpu.memref_slice %arg10[%sub3A_412, %dma_wait3A_415, %dma_wait3A_417, %dma_wait3A_418] : memref<2x6x128x16xf32, #tpu.memory_space<vmem>> -> memref<1x1x128x16xf32, #tpu.memory_space<vmem>>
        %dma_wait3A_420 = tpu.memref_squeeze %dma_wait3A_419 : memref<1x1x128x16xf32, #tpu.memory_space<vmem>> -> memref<128x16xf32, #tpu.memory_space<vmem>>
        %dma_wait3A_421 = arith.constant 0 : i32
        %dma_wait3A_422 = tpu.memref_slice %arg9[%sub3A_414, %dma_wait3A_416, %dma_wait3A_421] : memref<2x6x128xi32, #tpu.memory_space<vmem>> -> memref<1x1x128xi32, #tpu.memory_space<vmem>>
        %dma_wait3A_423 = tpu.memref_squeeze %dma_wait3A_422 : memref<1x1x128xi32, #tpu.memory_space<vmem>> -> memref<128xi32, #tpu.memory_space<vmem>>
        %dma_wait3A_424 = arith.constant 0 : i32
        %dma_wait3A_425 = arith.constant 0 : i32
        %dma_wait3A_426 = tpu.memref_slice %arg7[%dma_wait3A_424, %dma_wait3A_425] : memref<100000x16xf32, #tpu.memory_space<vmem_shared>> -> memref<100000x16xf32, #tpu.memory_space<vmem_shared>>
        tpu.wait_indirect_dma semaphore(%arg12 : memref<!tpu.dma_semaphore, #tpu.memory_space<semaphore_mem>>) src(%dma_wait3A_420 : memref<128x16xf32, #tpu.memory_space<vmem>>) dst(%dma_wait3A_426 : memref<100000x16xf32, #tpu.memory_space<vmem_shared>>)
        %sub3A_427 = arith.constant 1 : i32
        %sub3A_428 = arith.subi %sub3A_427, %rem3A_192 : i32
        %sub3A_429 = arith.constant 1 : i32
        %sub3A_430 = arith.subi %sub3A_429, %rem3A_192 : i32
        %dma_wait3A_431 = arith.constant 5 : i32
        %dma_wait3A_432 = arith.constant 5 : i32
        %dma_wait3A_433 = arith.constant 0 : i32
        %dma_wait3A_434 = arith.constant 0 : i32
        %dma_wait3A_435 = tpu.memref_slice %arg10[%sub3A_428, %dma_wait3A_431, %dma_wait3A_433, %dma_wait3A_434] : memref<2x6x128x16xf32, #tpu.memory_space<vmem>> -> memref<1x1x128x16xf32, #tpu.memory_space<vmem>>
        %dma_wait3A_436 = tpu.memref_squeeze %dma_wait3A_435 : memref<1x1x128x16xf32, #tpu.memory_space<vmem>> -> memref<128x16xf32, #tpu.memory_space<vmem>>
        %dma_wait3A_437 = arith.constant 0 : i32
        %dma_wait3A_438 = tpu.memref_slice %arg9[%sub3A_430, %dma_wait3A_432, %dma_wait3A_437] : memref<2x6x128xi32, #tpu.memory_space<vmem>> -> memref<1x1x128xi32, #tpu.memory_space<vmem>>
        %dma_wait3A_439 = tpu.memref_squeeze %dma_wait3A_438 : memref<1x1x128xi32, #tpu.memory_space<vmem>> -> memref<128xi32, #tpu.memory_space<vmem>>
        %dma_wait3A_440 = arith.constant 0 : i32
        %dma_wait3A_441 = arith.constant 0 : i32
        %dma_wait3A_442 = tpu.memref_slice %arg7[%dma_wait3A_440, %dma_wait3A_441] : memref<100000x16xf32, #tpu.memory_space<vmem_shared>> -> memref<100000x16xf32, #tpu.memory_space<vmem_shared>>
        tpu.wait_indirect_dma semaphore(%arg12 : memref<!tpu.dma_semaphore, #tpu.memory_space<semaphore_mem>>) src(%dma_wait3A_436 : memref<128x16xf32, #tpu.memory_space<vmem>>) dst(%dma_wait3A_442 : memref<100000x16xf32, #tpu.memory_space<vmem_shared>>)
      } else {
      }
      %add3A_269 = arith.constant 1 : i32
      %add3A_270 = arith.addi %scan3A_191, %add3A_269 : i32
      %lt3A_271 = arith.constant 65 : i32
      %lt3A_272 = arith.cmpi slt, %add3A_270, %lt3A_271 : i32
      %convert_element_type3A_273 = arith.extui %lt3A_272 : i1 to i32
      %cond3A_274 = arith.constant 0 : i32
      %cond3A_275 = arith.cmpi ne, %convert_element_type3A_273, %cond3A_274 : i32
      scf.if %cond3A_275 {
        %sub3A = arith.constant 1 : i32
        %sub3A_348 = arith.subi %sub3A, %rem3A_192 : i32
        %add3A_349 = arith.constant 1 : i32
        %add3A_350 = arith.addi %scan3A_191, %add3A_349 : i32
        %mul3A_351 = arith.constant 6 : i32
        %mul3A_352 = arith.muli %add3A_350, %mul3A_351 : i32
        %add3A_353 = arith.addi %mul3A_4, %mul3A_352 : i32
        %run_scoped3A_354 = arith.constant 0 : i32
        "tpu.region"() ({
          %run_scoped3A_428 = tpu.sem_alloc : memref<!tpu.dma_semaphore, #tpu.memory_space<semaphore_mem>>
          %dma_start3A_429 = arith.constant 0 : i32
          %dma_start3A_430 = arith.constant 0 : i32
          %dma_start3A_431 = tpu.memref_slice %arg8[%sub3A_348, %dma_start3A_429, %dma_start3A_430] : memref<2x6x128xi32, #tpu.memory_space<vmem>> -> memref<1x6x128xi32, #tpu.memory_space<vmem>>
          %dma_start3A_432 = tpu.memref_squeeze %dma_start3A_431 : memref<1x6x128xi32, #tpu.memory_space<vmem>> -> memref<6x128xi32, #tpu.memory_space<vmem>>
          %dma_start3A_433 = arith.constant 0 : i32
          %dma_start3A_434 = tpu.memref_slice %arg3[%run_scoped3A_354, %add3A_353, %dma_start3A_433] : memref<2x12500x128xi32, #tpu.memory_space<hbm>> -> memref<1x6x128xi32, #tpu.memory_space<hbm>>
          %dma_start3A_435 = tpu.memref_squeeze %dma_start3A_434 : memref<1x6x128xi32, #tpu.memory_space<hbm>> -> memref<6x128xi32, #tpu.memory_space<hbm>>
          %dma_start3A_436 = arith.constant 0 : i32
          %dma_start3A_437 = arith.constant 0 : i32
          %dma_start3A_438 = tpu.memref_slice %arg8[%sub3A_348, %dma_start3A_436, %dma_start3A_437] : memref<2x6x128xi32, #tpu.memory_space<vmem>> -> memref<1x6x128xi32, #tpu.memory_space<vmem>>
          %dma_start3A_439 = tpu.memref_squeeze %dma_start3A_438 : memref<1x6x128xi32, #tpu.memory_space<vmem>> -> memref<6x128xi32, #tpu.memory_space<vmem>>
          %dma_start3A_440 = arith.constant 0 : i32
          %dma_start3A_441 = tpu.memref_slice %arg3[%run_scoped3A_354, %add3A_353, %dma_start3A_440] : memref<2x12500x128xi32, #tpu.memory_space<hbm>> -> memref<1x6x128xi32, #tpu.memory_space<hbm>>
          %dma_start3A_442 = tpu.memref_squeeze %dma_start3A_441 : memref<1x6x128xi32, #tpu.memory_space<hbm>> -> memref<6x128xi32, #tpu.memory_space<hbm>>
          tpu.enqueue_dma source(%dma_start3A_442 : memref<6x128xi32, #tpu.memory_space<hbm>>) target(%dma_start3A_439 : memref<6x128xi32, #tpu.memory_space<vmem>>) target_semaphore(%run_scoped3A_428 : memref<!tpu.dma_semaphore, #tpu.memory_space<semaphore_mem>>)
          %dma_wait3A_443 = arith.constant 0 : i32
          %dma_wait3A_444 = arith.constant 0 : i32
          %dma_wait3A_445 = tpu.memref_slice %arg8[%sub3A_348, %dma_wait3A_443, %dma_wait3A_444] : memref<2x6x128xi32, #tpu.memory_space<vmem>> -> memref<1x6x128xi32, #tpu.memory_space<vmem>>
          %dma_wait3A_446 = tpu.memref_squeeze %dma_wait3A_445 : memref<1x6x128xi32, #tpu.memory_space<vmem>> -> memref<6x128xi32, #tpu.memory_space<vmem>>
          %dma_wait3A_447 = arith.constant 0 : i32
          %dma_wait3A_448 = tpu.memref_slice %arg3[%run_scoped3A_354, %add3A_353, %dma_wait3A_447] : memref<2x12500x128xi32, #tpu.memory_space<hbm>> -> memref<1x6x128xi32, #tpu.memory_space<hbm>>
          %dma_wait3A_449 = tpu.memref_squeeze %dma_wait3A_448 : memref<1x6x128xi32, #tpu.memory_space<hbm>> -> memref<6x128xi32, #tpu.memory_space<hbm>>
          %dma_wait3A_450 = arith.constant 0 : i32
          %dma_wait3A_451 = arith.constant 0 : i32
          %dma_wait3A_452 = tpu.memref_slice %arg8[%sub3A_348, %dma_wait3A_450, %dma_wait3A_451] : memref<2x6x128xi32, #tpu.memory_space<vmem>> -> memref<1x6x128xi32, #tpu.memory_space<vmem>>
          %dma_wait3A_453 = tpu.memref_squeeze %dma_wait3A_452 : memref<1x6x128xi32, #tpu.memory_space<vmem>> -> memref<6x128xi32, #tpu.memory_space<vmem>>
          %dma_wait3A_454 = arith.constant 0 : i32
          %dma_wait3A_455 = tpu.memref_slice %arg3[%run_scoped3A_354, %add3A_353, %dma_wait3A_454] : memref<2x12500x128xi32, #tpu.memory_space<hbm>> -> memref<1x6x128xi32, #tpu.memory_space<hbm>>
          %dma_wait3A_456 = tpu.memref_squeeze %dma_wait3A_455 : memref<1x6x128xi32, #tpu.memory_space<hbm>> -> memref<6x128xi32, #tpu.memory_space<hbm>>
          tpu.wait_dma2 semaphore(%run_scoped3A_428 : memref<!tpu.dma_semaphore, #tpu.memory_space<semaphore_mem>>) src(%dma_wait3A_456 : memref<6x128xi32, #tpu.memory_space<hbm>>) dst(%dma_wait3A_453 : memref<6x128xi32, #tpu.memory_space<vmem>>)
          tpu.yield
        }) : () -> ()
        %run_scoped3A_355 = arith.constant 1 : i32
        "tpu.region"() ({
          %run_scoped3A_428 = tpu.sem_alloc : memref<!tpu.dma_semaphore, #tpu.memory_space<semaphore_mem>>
          %dma_start3A_429 = arith.constant 0 : i32
          %dma_start3A_430 = arith.constant 0 : i32
          %dma_start3A_431 = tpu.memref_slice %arg9[%sub3A_348, %dma_start3A_429, %dma_start3A_430] : memref<2x6x128xi32, #tpu.memory_space<vmem>> -> memref<1x6x128xi32, #tpu.memory_space<vmem>>
          %dma_start3A_432 = tpu.memref_squeeze %dma_start3A_431 : memref<1x6x128xi32, #tpu.memory_space<vmem>> -> memref<6x128xi32, #tpu.memory_space<vmem>>
          %dma_start3A_433 = arith.constant 0 : i32
          %dma_start3A_434 = tpu.memref_slice %arg3[%run_scoped3A_355, %add3A_353, %dma_start3A_433] : memref<2x12500x128xi32, #tpu.memory_space<hbm>> -> memref<1x6x128xi32, #tpu.memory_space<hbm>>
          %dma_start3A_435 = tpu.memref_squeeze %dma_start3A_434 : memref<1x6x128xi32, #tpu.memory_space<hbm>> -> memref<6x128xi32, #tpu.memory_space<hbm>>
          %dma_start3A_436 = arith.constant 0 : i32
          %dma_start3A_437 = arith.constant 0 : i32
          %dma_start3A_438 = tpu.memref_slice %arg9[%sub3A_348, %dma_start3A_436, %dma_start3A_437] : memref<2x6x128xi32, #tpu.memory_space<vmem>> -> memref<1x6x128xi32, #tpu.memory_space<vmem>>
          %dma_start3A_439 = tpu.memref_squeeze %dma_start3A_438 : memref<1x6x128xi32, #tpu.memory_space<vmem>> -> memref<6x128xi32, #tpu.memory_space<vmem>>
          %dma_start3A_440 = arith.constant 0 : i32
          %dma_start3A_441 = tpu.memref_slice %arg3[%run_scoped3A_355, %add3A_353, %dma_start3A_440] : memref<2x12500x128xi32, #tpu.memory_space<hbm>> -> memref<1x6x128xi32, #tpu.memory_space<hbm>>
          %dma_start3A_442 = tpu.memref_squeeze %dma_start3A_441 : memref<1x6x128xi32, #tpu.memory_space<hbm>> -> memref<6x128xi32, #tpu.memory_space<hbm>>
          tpu.enqueue_dma source(%dma_start3A_442 : memref<6x128xi32, #tpu.memory_space<hbm>>) target(%dma_start3A_439 : memref<6x128xi32, #tpu.memory_space<vmem>>) target_semaphore(%run_scoped3A_428 : memref<!tpu.dma_semaphore, #tpu.memory_space<semaphore_mem>>)
          %dma_wait3A_443 = arith.constant 0 : i32
          %dma_wait3A_444 = arith.constant 0 : i32
          %dma_wait3A_445 = tpu.memref_slice %arg9[%sub3A_348, %dma_wait3A_443, %dma_wait3A_444] : memref<2x6x128xi32, #tpu.memory_space<vmem>> -> memref<1x6x128xi32, #tpu.memory_space<vmem>>
          %dma_wait3A_446 = tpu.memref_squeeze %dma_wait3A_445 : memref<1x6x128xi32, #tpu.memory_space<vmem>> -> memref<6x128xi32, #tpu.memory_space<vmem>>
          %dma_wait3A_447 = arith.constant 0 : i32
          %dma_wait3A_448 = tpu.memref_slice %arg3[%run_scoped3A_355, %add3A_353, %dma_wait3A_447] : memref<2x12500x128xi32, #tpu.memory_space<hbm>> -> memref<1x6x128xi32, #tpu.memory_space<hbm>>
          %dma_wait3A_449 = tpu.memref_squeeze %dma_wait3A_448 : memref<1x6x128xi32, #tpu.memory_space<hbm>> -> memref<6x128xi32, #tpu.memory_space<hbm>>
          %dma_wait3A_450 = arith.constant 0 : i32
          %dma_wait3A_451 = arith.constant 0 : i32
          %dma_wait3A_452 = tpu.memref_slice %arg9[%sub3A_348, %dma_wait3A_450, %dma_wait3A_451] : memref<2x6x128xi32, #tpu.memory_space<vmem>> -> memref<1x6x128xi32, #tpu.memory_space<vmem>>
          %dma_wait3A_453 = tpu.memref_squeeze %dma_wait3A_452 : memref<1x6x128xi32, #tpu.memory_space<vmem>> -> memref<6x128xi32, #tpu.memory_space<vmem>>
          %dma_wait3A_454 = arith.constant 0 : i32
          %dma_wait3A_455 = tpu.memref_slice %arg3[%run_scoped3A_355, %add3A_353, %dma_wait3A_454] : memref<2x12500x128xi32, #tpu.memory_space<hbm>> -> memref<1x6x128xi32, #tpu.memory_space<hbm>>
          %dma_wait3A_456 = tpu.memref_squeeze %dma_wait3A_455 : memref<1x6x128xi32, #tpu.memory_space<hbm>> -> memref<6x128xi32, #tpu.memory_space<hbm>>
          tpu.wait_dma2 semaphore(%run_scoped3A_428 : memref<!tpu.dma_semaphore, #tpu.memory_space<semaphore_mem>>) src(%dma_wait3A_456 : memref<6x128xi32, #tpu.memory_space<hbm>>) dst(%dma_wait3A_453 : memref<6x128xi32, #tpu.memory_space<vmem>>)
          tpu.yield
        }) : () -> ()
        %dma_start3A_356 = arith.constant 0 : i32
        %dma_start3A_357 = arith.constant 0 : i32
        %dma_start3A_358 = arith.constant 0 : i32
        %dma_start3A_359 = arith.constant 0 : i32
        %dma_start3A_360 = tpu.memref_slice %arg10[%sub3A_348, %dma_start3A_357, %dma_start3A_358, %dma_start3A_359] : memref<2x6x128x16xf32, #tpu.memory_space<vmem>> -> memref<1x1x128x16xf32, #tpu.memory_space<vmem>>
        %dma_start3A_361 = tpu.memref_squeeze %dma_start3A_360 : memref<1x1x128x16xf32, #tpu.memory_space<vmem>> -> memref<128x16xf32, #tpu.memory_space<vmem>>
        %dma_start3A_362 = arith.constant 0 : i32
        %dma_start3A_363 = tpu.memref_slice %arg8[%sub3A_348, %dma_start3A_356, %dma_start3A_362] : memref<2x6x128xi32, #tpu.memory_space<vmem>> -> memref<1x1x128xi32, #tpu.memory_space<vmem>>
        %dma_start3A_364 = tpu.memref_squeeze %dma_start3A_363 : memref<1x1x128xi32, #tpu.memory_space<vmem>> -> memref<128xi32, #tpu.memory_space<vmem>>
        %dma_start3A_365 = arith.constant 0 : i32
        %dma_start3A_366 = arith.constant 0 : i32
        %dma_start3A_367 = tpu.memref_slice %arg2[%dma_start3A_365, %dma_start3A_366] : memref<100000x16xf32, #tpu.memory_space<hbm>> -> memref<100000x16xf32, #tpu.memory_space<hbm>>
        tpu.enqueue_indirect_dma source(%dma_start3A_367 : memref<100000x16xf32, #tpu.memory_space<hbm>>) target(%dma_start3A_361 : memref<128x16xf32, #tpu.memory_space<vmem>>) offsets(%dma_start3A_364 : memref<128xi32, #tpu.memory_space<vmem>>) semaphore(%arg11 : memref<!tpu.dma_semaphore, #tpu.memory_space<semaphore_mem>>)
        %dma_start3A_368 = arith.constant 1 : i32
        %dma_start3A_369 = arith.constant 1 : i32
        %dma_start3A_370 = arith.constant 0 : i32
        %dma_start3A_371 = arith.constant 0 : i32
        %dma_start3A_372 = tpu.memref_slice %arg10[%sub3A_348, %dma_start3A_369, %dma_start3A_370, %dma_start3A_371] : memref<2x6x128x16xf32, #tpu.memory_space<vmem>> -> memref<1x1x128x16xf32, #tpu.memory_space<vmem>>
        %dma_start3A_373 = tpu.memref_squeeze %dma_start3A_372 : memref<1x1x128x16xf32, #tpu.memory_space<vmem>> -> memref<128x16xf32, #tpu.memory_space<vmem>>
        %dma_start3A_374 = arith.constant 0 : i32
        %dma_start3A_375 = tpu.memref_slice %arg8[%sub3A_348, %dma_start3A_368, %dma_start3A_374] : memref<2x6x128xi32, #tpu.memory_space<vmem>> -> memref<1x1x128xi32, #tpu.memory_space<vmem>>
        %dma_start3A_376 = tpu.memref_squeeze %dma_start3A_375 : memref<1x1x128xi32, #tpu.memory_space<vmem>> -> memref<128xi32, #tpu.memory_space<vmem>>
        %dma_start3A_377 = arith.constant 0 : i32
        %dma_start3A_378 = arith.constant 0 : i32
        %dma_start3A_379 = tpu.memref_slice %arg2[%dma_start3A_377, %dma_start3A_378] : memref<100000x16xf32, #tpu.memory_space<hbm>> -> memref<100000x16xf32, #tpu.memory_space<hbm>>
        tpu.enqueue_indirect_dma source(%dma_start3A_379 : memref<100000x16xf32, #tpu.memory_space<hbm>>) target(%dma_start3A_373 : memref<128x16xf32, #tpu.memory_space<vmem>>) offsets(%dma_start3A_376 : memref<128xi32, #tpu.memory_space<vmem>>) semaphore(%arg11 : memref<!tpu.dma_semaphore, #tpu.memory_space<semaphore_mem>>)
        %dma_start3A_380 = arith.constant 2 : i32
        %dma_start3A_381 = arith.constant 2 : i32
        %dma_start3A_382 = arith.constant 0 : i32
        %dma_start3A_383 = arith.constant 0 : i32
        %dma_start3A_384 = tpu.memref_slice %arg10[%sub3A_348, %dma_start3A_381, %dma_start3A_382, %dma_start3A_383] : memref<2x6x128x16xf32, #tpu.memory_space<vmem>> -> memref<1x1x128x16xf32, #tpu.memory_space<vmem>>
        %dma_start3A_385 = tpu.memref_squeeze %dma_start3A_384 : memref<1x1x128x16xf32, #tpu.memory_space<vmem>> -> memref<128x16xf32, #tpu.memory_space<vmem>>
        %dma_start3A_386 = arith.constant 0 : i32
        %dma_start3A_387 = tpu.memref_slice %arg8[%sub3A_348, %dma_start3A_380, %dma_start3A_386] : memref<2x6x128xi32, #tpu.memory_space<vmem>> -> memref<1x1x128xi32, #tpu.memory_space<vmem>>
        %dma_start3A_388 = tpu.memref_squeeze %dma_start3A_387 : memref<1x1x128xi32, #tpu.memory_space<vmem>> -> memref<128xi32, #tpu.memory_space<vmem>>
        %dma_start3A_389 = arith.constant 0 : i32
        %dma_start3A_390 = arith.constant 0 : i32
        %dma_start3A_391 = tpu.memref_slice %arg2[%dma_start3A_389, %dma_start3A_390] : memref<100000x16xf32, #tpu.memory_space<hbm>> -> memref<100000x16xf32, #tpu.memory_space<hbm>>
        tpu.enqueue_indirect_dma source(%dma_start3A_391 : memref<100000x16xf32, #tpu.memory_space<hbm>>) target(%dma_start3A_385 : memref<128x16xf32, #tpu.memory_space<vmem>>) offsets(%dma_start3A_388 : memref<128xi32, #tpu.memory_space<vmem>>) semaphore(%arg11 : memref<!tpu.dma_semaphore, #tpu.memory_space<semaphore_mem>>)
        %dma_start3A_392 = arith.constant 3 : i32
        %dma_start3A_393 = arith.constant 3 : i32
        %dma_start3A_394 = arith.constant 0 : i32
        %dma_start3A_395 = arith.constant 0 : i32
        %dma_start3A_396 = tpu.memref_slice %arg10[%sub3A_348, %dma_start3A_393, %dma_start3A_394, %dma_start3A_395] : memref<2x6x128x16xf32, #tpu.memory_space<vmem>> -> memref<1x1x128x16xf32, #tpu.memory_space<vmem>>
        %dma_start3A_397 = tpu.memref_squeeze %dma_start3A_396 : memref<1x1x128x16xf32, #tpu.memory_space<vmem>> -> memref<128x16xf32, #tpu.memory_space<vmem>>
        %dma_start3A_398 = arith.constant 0 : i32
        %dma_start3A_399 = tpu.memref_slice %arg8[%sub3A_348, %dma_start3A_392, %dma_start3A_398] : memref<2x6x128xi32, #tpu.memory_space<vmem>> -> memref<1x1x128xi32, #tpu.memory_space<vmem>>
        %dma_start3A_400 = tpu.memref_squeeze %dma_start3A_399 : memref<1x1x128xi32, #tpu.memory_space<vmem>> -> memref<128xi32, #tpu.memory_space<vmem>>
        %dma_start3A_401 = arith.constant 0 : i32
        %dma_start3A_402 = arith.constant 0 : i32
        %dma_start3A_403 = tpu.memref_slice %arg2[%dma_start3A_401, %dma_start3A_402] : memref<100000x16xf32, #tpu.memory_space<hbm>> -> memref<100000x16xf32, #tpu.memory_space<hbm>>
        tpu.enqueue_indirect_dma source(%dma_start3A_403 : memref<100000x16xf32, #tpu.memory_space<hbm>>) target(%dma_start3A_397 : memref<128x16xf32, #tpu.memory_space<vmem>>) offsets(%dma_start3A_400 : memref<128xi32, #tpu.memory_space<vmem>>) semaphore(%arg11 : memref<!tpu.dma_semaphore, #tpu.memory_space<semaphore_mem>>)
        %dma_start3A_404 = arith.constant 4 : i32
        %dma_start3A_405 = arith.constant 4 : i32
        %dma_start3A_406 = arith.constant 0 : i32
        %dma_start3A_407 = arith.constant 0 : i32
        %dma_start3A_408 = tpu.memref_slice %arg10[%sub3A_348, %dma_start3A_405, %dma_start3A_406, %dma_start3A_407] : memref<2x6x128x16xf32, #tpu.memory_space<vmem>> -> memref<1x1x128x16xf32, #tpu.memory_space<vmem>>
        %dma_start3A_409 = tpu.memref_squeeze %dma_start3A_408 : memref<1x1x128x16xf32, #tpu.memory_space<vmem>> -> memref<128x16xf32, #tpu.memory_space<vmem>>
        %dma_start3A_410 = arith.constant 0 : i32
        %dma_start3A_411 = tpu.memref_slice %arg8[%sub3A_348, %dma_start3A_404, %dma_start3A_410] : memref<2x6x128xi32, #tpu.memory_space<vmem>> -> memref<1x1x128xi32, #tpu.memory_space<vmem>>
        %dma_start3A_412 = tpu.memref_squeeze %dma_start3A_411 : memref<1x1x128xi32, #tpu.memory_space<vmem>> -> memref<128xi32, #tpu.memory_space<vmem>>
        %dma_start3A_413 = arith.constant 0 : i32
        %dma_start3A_414 = arith.constant 0 : i32
        %dma_start3A_415 = tpu.memref_slice %arg2[%dma_start3A_413, %dma_start3A_414] : memref<100000x16xf32, #tpu.memory_space<hbm>> -> memref<100000x16xf32, #tpu.memory_space<hbm>>
        tpu.enqueue_indirect_dma source(%dma_start3A_415 : memref<100000x16xf32, #tpu.memory_space<hbm>>) target(%dma_start3A_409 : memref<128x16xf32, #tpu.memory_space<vmem>>) offsets(%dma_start3A_412 : memref<128xi32, #tpu.memory_space<vmem>>) semaphore(%arg11 : memref<!tpu.dma_semaphore, #tpu.memory_space<semaphore_mem>>)
        %dma_start3A_416 = arith.constant 5 : i32
        %dma_start3A_417 = arith.constant 5 : i32
        %dma_start3A_418 = arith.constant 0 : i32
        %dma_start3A_419 = arith.constant 0 : i32
        %dma_start3A_420 = tpu.memref_slice %arg10[%sub3A_348, %dma_start3A_417, %dma_start3A_418, %dma_start3A_419] : memref<2x6x128x16xf32, #tpu.memory_space<vmem>> -> memref<1x1x128x16xf32, #tpu.memory_space<vmem>>
        %dma_start3A_421 = tpu.memref_squeeze %dma_start3A_420 : memref<1x1x128x16xf32, #tpu.memory_space<vmem>> -> memref<128x16xf32, #tpu.memory_space<vmem>>
        %dma_start3A_422 = arith.constant 0 : i32
        %dma_start3A_423 = tpu.memref_slice %arg8[%sub3A_348, %dma_start3A_416, %dma_start3A_422] : memref<2x6x128xi32, #tpu.memory_space<vmem>> -> memref<1x1x128xi32, #tpu.memory_space<vmem>>
        %dma_start3A_424 = tpu.memref_squeeze %dma_start3A_423 : memref<1x1x128xi32, #tpu.memory_space<vmem>> -> memref<128xi32, #tpu.memory_space<vmem>>
        %dma_start3A_425 = arith.constant 0 : i32
        %dma_start3A_426 = arith.constant 0 : i32
        %dma_start3A_427 = tpu.memref_slice %arg2[%dma_start3A_425, %dma_start3A_426] : memref<100000x16xf32, #tpu.memory_space<hbm>> -> memref<100000x16xf32, #tpu.memory_space<hbm>>
        tpu.enqueue_indirect_dma source(%dma_start3A_427 : memref<100000x16xf32, #tpu.memory_space<hbm>>) target(%dma_start3A_421 : memref<128x16xf32, #tpu.memory_space<vmem>>) offsets(%dma_start3A_424 : memref<128xi32, #tpu.memory_space<vmem>>) semaphore(%arg11 : memref<!tpu.dma_semaphore, #tpu.memory_space<semaphore_mem>>)
      } else {
      }
      %dma_start3A_276 = arith.constant 0 : i32
      %dma_start3A_277 = arith.constant 0 : i32
      %dma_start3A_278 = arith.constant 0 : i32
      %dma_start3A_279 = arith.constant 0 : i32
      %dma_start3A_280 = tpu.memref_slice %arg10[%rem3A_192, %dma_start3A_276, %dma_start3A_278, %dma_start3A_279] : memref<2x6x128x16xf32, #tpu.memory_space<vmem>> -> memref<1x1x128x16xf32, #tpu.memory_space<vmem>>
      %dma_start3A_281 = tpu.memref_squeeze %dma_start3A_280 : memref<1x1x128x16xf32, #tpu.memory_space<vmem>> -> memref<128x16xf32, #tpu.memory_space<vmem>>
      %dma_start3A_282 = arith.constant 0 : i32
      %dma_start3A_283 = tpu.memref_slice %arg9[%rem3A_192, %dma_start3A_277, %dma_start3A_282] : memref<2x6x128xi32, #tpu.memory_space<vmem>> -> memref<1x1x128xi32, #tpu.memory_space<vmem>>
      %dma_start3A_284 = tpu.memref_squeeze %dma_start3A_283 : memref<1x1x128xi32, #tpu.memory_space<vmem>> -> memref<128xi32, #tpu.memory_space<vmem>>
      %dma_start3A_285 = arith.constant 0 : i32
      %dma_start3A_286 = arith.constant 0 : i32
      %dma_start3A_287 = tpu.memref_slice %arg7[%dma_start3A_285, %dma_start3A_286] : memref<100000x16xf32, #tpu.memory_space<vmem_shared>> -> memref<100000x16xf32, #tpu.memory_space<vmem_shared>>
      tpu.enqueue_indirect_dma source(%dma_start3A_281 : memref<128x16xf32, #tpu.memory_space<vmem>>) target(%dma_start3A_287 : memref<100000x16xf32, #tpu.memory_space<vmem_shared>>) offsets(%dma_start3A_284 : memref<128xi32, #tpu.memory_space<vmem>>) semaphore(%arg12 : memref<!tpu.dma_semaphore, #tpu.memory_space<semaphore_mem>>) {add = true}
      %dma_start3A_288 = arith.constant 1 : i32
      %dma_start3A_289 = arith.constant 1 : i32
      %dma_start3A_290 = arith.constant 0 : i32
      %dma_start3A_291 = arith.constant 0 : i32
      %dma_start3A_292 = tpu.memref_slice %arg10[%rem3A_192, %dma_start3A_288, %dma_start3A_290, %dma_start3A_291] : memref<2x6x128x16xf32, #tpu.memory_space<vmem>> -> memref<1x1x128x16xf32, #tpu.memory_space<vmem>>
      %dma_start3A_293 = tpu.memref_squeeze %dma_start3A_292 : memref<1x1x128x16xf32, #tpu.memory_space<vmem>> -> memref<128x16xf32, #tpu.memory_space<vmem>>
      %dma_start3A_294 = arith.constant 0 : i32
      %dma_start3A_295 = tpu.memref_slice %arg9[%rem3A_192, %dma_start3A_289, %dma_start3A_294] : memref<2x6x128xi32, #tpu.memory_space<vmem>> -> memref<1x1x128xi32, #tpu.memory_space<vmem>>
      %dma_start3A_296 = tpu.memref_squeeze %dma_start3A_295 : memref<1x1x128xi32, #tpu.memory_space<vmem>> -> memref<128xi32, #tpu.memory_space<vmem>>
      %dma_start3A_297 = arith.constant 0 : i32
      %dma_start3A_298 = arith.constant 0 : i32
      %dma_start3A_299 = tpu.memref_slice %arg7[%dma_start3A_297, %dma_start3A_298] : memref<100000x16xf32, #tpu.memory_space<vmem_shared>> -> memref<100000x16xf32, #tpu.memory_space<vmem_shared>>
      tpu.enqueue_indirect_dma source(%dma_start3A_293 : memref<128x16xf32, #tpu.memory_space<vmem>>) target(%dma_start3A_299 : memref<100000x16xf32, #tpu.memory_space<vmem_shared>>) offsets(%dma_start3A_296 : memref<128xi32, #tpu.memory_space<vmem>>) semaphore(%arg12 : memref<!tpu.dma_semaphore, #tpu.memory_space<semaphore_mem>>) {add = true}
      %dma_start3A_300 = arith.constant 2 : i32
      %dma_start3A_301 = arith.constant 2 : i32
      %dma_start3A_302 = arith.constant 0 : i32
      %dma_start3A_303 = arith.constant 0 : i32
      %dma_start3A_304 = tpu.memref_slice %arg10[%rem3A_192, %dma_start3A_300, %dma_start3A_302, %dma_start3A_303] : memref<2x6x128x16xf32, #tpu.memory_space<vmem>> -> memref<1x1x128x16xf32, #tpu.memory_space<vmem>>
      %dma_start3A_305 = tpu.memref_squeeze %dma_start3A_304 : memref<1x1x128x16xf32, #tpu.memory_space<vmem>> -> memref<128x16xf32, #tpu.memory_space<vmem>>
      %dma_start3A_306 = arith.constant 0 : i32
      %dma_start3A_307 = tpu.memref_slice %arg9[%rem3A_192, %dma_start3A_301, %dma_start3A_306] : memref<2x6x128xi32, #tpu.memory_space<vmem>> -> memref<1x1x128xi32, #tpu.memory_space<vmem>>
      %dma_start3A_308 = tpu.memref_squeeze %dma_start3A_307 : memref<1x1x128xi32, #tpu.memory_space<vmem>> -> memref<128xi32, #tpu.memory_space<vmem>>
      %dma_start3A_309 = arith.constant 0 : i32
      %dma_start3A_310 = arith.constant 0 : i32
      %dma_start3A_311 = tpu.memref_slice %arg7[%dma_start3A_309, %dma_start3A_310] : memref<100000x16xf32, #tpu.memory_space<vmem_shared>> -> memref<100000x16xf32, #tpu.memory_space<vmem_shared>>
      tpu.enqueue_indirect_dma source(%dma_start3A_305 : memref<128x16xf32, #tpu.memory_space<vmem>>) target(%dma_start3A_311 : memref<100000x16xf32, #tpu.memory_space<vmem_shared>>) offsets(%dma_start3A_308 : memref<128xi32, #tpu.memory_space<vmem>>) semaphore(%arg12 : memref<!tpu.dma_semaphore, #tpu.memory_space<semaphore_mem>>) {add = true}
      %dma_start3A_312 = arith.constant 3 : i32
      %dma_start3A_313 = arith.constant 3 : i32
      %dma_start3A_314 = arith.constant 0 : i32
      %dma_start3A_315 = arith.constant 0 : i32
      %dma_start3A_316 = tpu.memref_slice %arg10[%rem3A_192, %dma_start3A_312, %dma_start3A_314, %dma_start3A_315] : memref<2x6x128x16xf32, #tpu.memory_space<vmem>> -> memref<1x1x128x16xf32, #tpu.memory_space<vmem>>
      %dma_start3A_317 = tpu.memref_squeeze %dma_start3A_316 : memref<1x1x128x16xf32, #tpu.memory_space<vmem>> -> memref<128x16xf32, #tpu.memory_space<vmem>>
      %dma_start3A_318 = arith.constant 0 : i32
      %dma_start3A_319 = tpu.memref_slice %arg9[%rem3A_192, %dma_start3A_313, %dma_start3A_318] : memref<2x6x128xi32, #tpu.memory_space<vmem>> -> memref<1x1x128xi32, #tpu.memory_space<vmem>>
      %dma_start3A_320 = tpu.memref_squeeze %dma_start3A_319 : memref<1x1x128xi32, #tpu.memory_space<vmem>> -> memref<128xi32, #tpu.memory_space<vmem>>
      %dma_start3A_321 = arith.constant 0 : i32
      %dma_start3A_322 = arith.constant 0 : i32
      %dma_start3A_323 = tpu.memref_slice %arg7[%dma_start3A_321, %dma_start3A_322] : memref<100000x16xf32, #tpu.memory_space<vmem_shared>> -> memref<100000x16xf32, #tpu.memory_space<vmem_shared>>
      tpu.enqueue_indirect_dma source(%dma_start3A_317 : memref<128x16xf32, #tpu.memory_space<vmem>>) target(%dma_start3A_323 : memref<100000x16xf32, #tpu.memory_space<vmem_shared>>) offsets(%dma_start3A_320 : memref<128xi32, #tpu.memory_space<vmem>>) semaphore(%arg12 : memref<!tpu.dma_semaphore, #tpu.memory_space<semaphore_mem>>) {add = true}
      %dma_start3A_324 = arith.constant 4 : i32
      %dma_start3A_325 = arith.constant 4 : i32
      %dma_start3A_326 = arith.constant 0 : i32
      %dma_start3A_327 = arith.constant 0 : i32
      %dma_start3A_328 = tpu.memref_slice %arg10[%rem3A_192, %dma_start3A_324, %dma_start3A_326, %dma_start3A_327] : memref<2x6x128x16xf32, #tpu.memory_space<vmem>> -> memref<1x1x128x16xf32, #tpu.memory_space<vmem>>
      %dma_start3A_329 = tpu.memref_squeeze %dma_start3A_328 : memref<1x1x128x16xf32, #tpu.memory_space<vmem>> -> memref<128x16xf32, #tpu.memory_space<vmem>>
      %dma_start3A_330 = arith.constant 0 : i32
      %dma_start3A_331 = tpu.memref_slice %arg9[%rem3A_192, %dma_start3A_325, %dma_start3A_330] : memref<2x6x128xi32, #tpu.memory_space<vmem>> -> memref<1x1x128xi32, #tpu.memory_space<vmem>>
      %dma_start3A_332 = tpu.memref_squeeze %dma_start3A_331 : memref<1x1x128xi32, #tpu.memory_space<vmem>> -> memref<128xi32, #tpu.memory_space<vmem>>
      %dma_start3A_333 = arith.constant 0 : i32
      %dma_start3A_334 = arith.constant 0 : i32
      %dma_start3A_335 = tpu.memref_slice %arg7[%dma_start3A_333, %dma_start3A_334] : memref<100000x16xf32, #tpu.memory_space<vmem_shared>> -> memref<100000x16xf32, #tpu.memory_space<vmem_shared>>
      tpu.enqueue_indirect_dma source(%dma_start3A_329 : memref<128x16xf32, #tpu.memory_space<vmem>>) target(%dma_start3A_335 : memref<100000x16xf32, #tpu.memory_space<vmem_shared>>) offsets(%dma_start3A_332 : memref<128xi32, #tpu.memory_space<vmem>>) semaphore(%arg12 : memref<!tpu.dma_semaphore, #tpu.memory_space<semaphore_mem>>) {add = true}
      %dma_start3A_336 = arith.constant 5 : i32
      %dma_start3A_337 = arith.constant 5 : i32
      %dma_start3A_338 = arith.constant 0 : i32
      %dma_start3A_339 = arith.constant 0 : i32
      %dma_start3A_340 = tpu.memref_slice %arg10[%rem3A_192, %dma_start3A_336, %dma_start3A_338, %dma_start3A_339] : memref<2x6x128x16xf32, #tpu.memory_space<vmem>> -> memref<1x1x128x16xf32, #tpu.memory_space<vmem>>
      %dma_start3A_341 = tpu.memref_squeeze %dma_start3A_340 : memref<1x1x128x16xf32, #tpu.memory_space<vmem>> -> memref<128x16xf32, #tpu.memory_space<vmem>>
      %dma_start3A_342 = arith.constant 0 : i32
      %dma_start3A_343 = tpu.memref_slice %arg9[%rem3A_192, %dma_start3A_337, %dma_start3A_342] : memref<2x6x128xi32, #tpu.memory_space<vmem>> -> memref<1x1x128xi32, #tpu.memory_space<vmem>>
      %dma_start3A_344 = tpu.memref_squeeze %dma_start3A_343 : memref<1x1x128xi32, #tpu.memory_space<vmem>> -> memref<128xi32, #tpu.memory_space<vmem>>
      %dma_start3A_345 = arith.constant 0 : i32
      %dma_start3A_346 = arith.constant 0 : i32
      %dma_start3A_347 = tpu.memref_slice %arg7[%dma_start3A_345, %dma_start3A_346] : memref<100000x16xf32, #tpu.memory_space<vmem_shared>> -> memref<100000x16xf32, #tpu.memory_space<vmem_shared>>
      tpu.enqueue_indirect_dma source(%dma_start3A_341 : memref<128x16xf32, #tpu.memory_space<vmem>>) target(%dma_start3A_347 : memref<100000x16xf32, #tpu.memory_space<vmem_shared>>) offsets(%dma_start3A_344 : memref<128xi32, #tpu.memory_space<vmem>>) semaphore(%arg12 : memref<!tpu.dma_semaphore, #tpu.memory_space<semaphore_mem>>) {add = true}
    }
    %scan3A_95 = arith.constant 65 : i32
    %dma_wait3A = arith.constant 0 : i32
    %dma_wait3A_96 = arith.constant 0 : i32
    %dma_wait3A_97 = arith.constant 0 : i32
    %dma_wait3A_98 = arith.constant 0 : i32
    %dma_wait3A_99 = arith.constant 0 : i32
    %dma_wait3A_100 = arith.constant 0 : i32
    %dma_wait3A_101 = tpu.memref_slice %arg10[%dma_wait3A, %dma_wait3A_96, %dma_wait3A_99, %dma_wait3A_100] : memref<2x6x128x16xf32, #tpu.memory_space<vmem>> -> memref<1x1x128x16xf32, #tpu.memory_space<vmem>>
    %dma_wait3A_102 = tpu.memref_squeeze %dma_wait3A_101 : memref<1x1x128x16xf32, #tpu.memory_space<vmem>> -> memref<128x16xf32, #tpu.memory_space<vmem>>
    %dma_wait3A_103 = arith.constant 0 : i32
    %dma_wait3A_104 = tpu.memref_slice %arg9[%dma_wait3A_97, %dma_wait3A_98, %dma_wait3A_103] : memref<2x6x128xi32, #tpu.memory_space<vmem>> -> memref<1x1x128xi32, #tpu.memory_space<vmem>>
    %dma_wait3A_105 = tpu.memref_squeeze %dma_wait3A_104 : memref<1x1x128xi32, #tpu.memory_space<vmem>> -> memref<128xi32, #tpu.memory_space<vmem>>
    %dma_wait3A_106 = arith.constant 0 : i32
    %dma_wait3A_107 = arith.constant 0 : i32
    %dma_wait3A_108 = tpu.memref_slice %arg7[%dma_wait3A_106, %dma_wait3A_107] : memref<100000x16xf32, #tpu.memory_space<vmem_shared>> -> memref<100000x16xf32, #tpu.memory_space<vmem_shared>>
    tpu.wait_indirect_dma semaphore(%arg12 : memref<!tpu.dma_semaphore, #tpu.memory_space<semaphore_mem>>) src(%dma_wait3A_102 : memref<128x16xf32, #tpu.memory_space<vmem>>) dst(%dma_wait3A_108 : memref<100000x16xf32, #tpu.memory_space<vmem_shared>>)
    %dma_wait3A_109 = arith.constant 0 : i32
    %dma_wait3A_110 = arith.constant 1 : i32
    %dma_wait3A_111 = arith.constant 0 : i32
    %dma_wait3A_112 = arith.constant 1 : i32
    %dma_wait3A_113 = arith.constant 0 : i32
    %dma_wait3A_114 = arith.constant 0 : i32
    %dma_wait3A_115 = tpu.memref_slice %arg10[%dma_wait3A_109, %dma_wait3A_110, %dma_wait3A_113, %dma_wait3A_114] : memref<2x6x128x16xf32, #tpu.memory_space<vmem>> -> memref<1x1x128x16xf32, #tpu.memory_space<vmem>>
    %dma_wait3A_116 = tpu.memref_squeeze %dma_wait3A_115 : memref<1x1x128x16xf32, #tpu.memory_space<vmem>> -> memref<128x16xf32, #tpu.memory_space<vmem>>
    %dma_wait3A_117 = arith.constant 0 : i32
    %dma_wait3A_118 = tpu.memref_slice %arg9[%dma_wait3A_111, %dma_wait3A_112, %dma_wait3A_117] : memref<2x6x128xi32, #tpu.memory_space<vmem>> -> memref<1x1x128xi32, #tpu.memory_space<vmem>>
    %dma_wait3A_119 = tpu.memref_squeeze %dma_wait3A_118 : memref<1x1x128xi32, #tpu.memory_space<vmem>> -> memref<128xi32, #tpu.memory_space<vmem>>
    %dma_wait3A_120 = arith.constant 0 : i32
    %dma_wait3A_121 = arith.constant 0 : i32
    %dma_wait3A_122 = tpu.memref_slice %arg7[%dma_wait3A_120, %dma_wait3A_121] : memref<100000x16xf32, #tpu.memory_space<vmem_shared>> -> memref<100000x16xf32, #tpu.memory_space<vmem_shared>>
    tpu.wait_indirect_dma semaphore(%arg12 : memref<!tpu.dma_semaphore, #tpu.memory_space<semaphore_mem>>) src(%dma_wait3A_116 : memref<128x16xf32, #tpu.memory_space<vmem>>) dst(%dma_wait3A_122 : memref<100000x16xf32, #tpu.memory_space<vmem_shared>>)
    %dma_wait3A_123 = arith.constant 0 : i32
    %dma_wait3A_124 = arith.constant 2 : i32
    %dma_wait3A_125 = arith.constant 0 : i32
    %dma_wait3A_126 = arith.constant 2 : i32
    %dma_wait3A_127 = arith.constant 0 : i32
    %dma_wait3A_128 = arith.constant 0 : i32
    %dma_wait3A_129 = tpu.memref_slice %arg10[%dma_wait3A_123, %dma_wait3A_124, %dma_wait3A_127, %dma_wait3A_128] : memref<2x6x128x16xf32, #tpu.memory_space<vmem>> -> memref<1x1x128x16xf32, #tpu.memory_space<vmem>>
    %dma_wait3A_130 = tpu.memref_squeeze %dma_wait3A_129 : memref<1x1x128x16xf32, #tpu.memory_space<vmem>> -> memref<128x16xf32, #tpu.memory_space<vmem>>
    %dma_wait3A_131 = arith.constant 0 : i32
    %dma_wait3A_132 = tpu.memref_slice %arg9[%dma_wait3A_125, %dma_wait3A_126, %dma_wait3A_131] : memref<2x6x128xi32, #tpu.memory_space<vmem>> -> memref<1x1x128xi32, #tpu.memory_space<vmem>>
    %dma_wait3A_133 = tpu.memref_squeeze %dma_wait3A_132 : memref<1x1x128xi32, #tpu.memory_space<vmem>> -> memref<128xi32, #tpu.memory_space<vmem>>
    %dma_wait3A_134 = arith.constant 0 : i32
    %dma_wait3A_135 = arith.constant 0 : i32
    %dma_wait3A_136 = tpu.memref_slice %arg7[%dma_wait3A_134, %dma_wait3A_135] : memref<100000x16xf32, #tpu.memory_space<vmem_shared>> -> memref<100000x16xf32, #tpu.memory_space<vmem_shared>>
    tpu.wait_indirect_dma semaphore(%arg12 : memref<!tpu.dma_semaphore, #tpu.memory_space<semaphore_mem>>) src(%dma_wait3A_130 : memref<128x16xf32, #tpu.memory_space<vmem>>) dst(%dma_wait3A_136 : memref<100000x16xf32, #tpu.memory_space<vmem_shared>>)
    %dma_wait3A_137 = arith.constant 0 : i32
    %dma_wait3A_138 = arith.constant 3 : i32
    %dma_wait3A_139 = arith.constant 0 : i32
    %dma_wait3A_140 = arith.constant 3 : i32
    %dma_wait3A_141 = arith.constant 0 : i32
    %dma_wait3A_142 = arith.constant 0 : i32
    %dma_wait3A_143 = tpu.memref_slice %arg10[%dma_wait3A_137, %dma_wait3A_138, %dma_wait3A_141, %dma_wait3A_142] : memref<2x6x128x16xf32, #tpu.memory_space<vmem>> -> memref<1x1x128x16xf32, #tpu.memory_space<vmem>>
    %dma_wait3A_144 = tpu.memref_squeeze %dma_wait3A_143 : memref<1x1x128x16xf32, #tpu.memory_space<vmem>> -> memref<128x16xf32, #tpu.memory_space<vmem>>
    %dma_wait3A_145 = arith.constant 0 : i32
    %dma_wait3A_146 = tpu.memref_slice %arg9[%dma_wait3A_139, %dma_wait3A_140, %dma_wait3A_145] : memref<2x6x128xi32, #tpu.memory_space<vmem>> -> memref<1x1x128xi32, #tpu.memory_space<vmem>>
    %dma_wait3A_147 = tpu.memref_squeeze %dma_wait3A_146 : memref<1x1x128xi32, #tpu.memory_space<vmem>> -> memref<128xi32, #tpu.memory_space<vmem>>
    %dma_wait3A_148 = arith.constant 0 : i32
    %dma_wait3A_149 = arith.constant 0 : i32
    %dma_wait3A_150 = tpu.memref_slice %arg7[%dma_wait3A_148, %dma_wait3A_149] : memref<100000x16xf32, #tpu.memory_space<vmem_shared>> -> memref<100000x16xf32, #tpu.memory_space<vmem_shared>>
    tpu.wait_indirect_dma semaphore(%arg12 : memref<!tpu.dma_semaphore, #tpu.memory_space<semaphore_mem>>) src(%dma_wait3A_144 : memref<128x16xf32, #tpu.memory_space<vmem>>) dst(%dma_wait3A_150 : memref<100000x16xf32, #tpu.memory_space<vmem_shared>>)
    %dma_wait3A_151 = arith.constant 0 : i32
    %dma_wait3A_152 = arith.constant 4 : i32
    %dma_wait3A_153 = arith.constant 0 : i32
    %dma_wait3A_154 = arith.constant 4 : i32
    %dma_wait3A_155 = arith.constant 0 : i32
    %dma_wait3A_156 = arith.constant 0 : i32
    %dma_wait3A_157 = tpu.memref_slice %arg10[%dma_wait3A_151, %dma_wait3A_152, %dma_wait3A_155, %dma_wait3A_156] : memref<2x6x128x16xf32, #tpu.memory_space<vmem>> -> memref<1x1x128x16xf32, #tpu.memory_space<vmem>>
    %dma_wait3A_158 = tpu.memref_squeeze %dma_wait3A_157 : memref<1x1x128x16xf32, #tpu.memory_space<vmem>> -> memref<128x16xf32, #tpu.memory_space<vmem>>
    %dma_wait3A_159 = arith.constant 0 : i32
    %dma_wait3A_160 = tpu.memref_slice %arg9[%dma_wait3A_153, %dma_wait3A_154, %dma_wait3A_159] : memref<2x6x128xi32, #tpu.memory_space<vmem>> -> memref<1x1x128xi32, #tpu.memory_space<vmem>>
    %dma_wait3A_161 = tpu.memref_squeeze %dma_wait3A_160 : memref<1x1x128xi32, #tpu.memory_space<vmem>> -> memref<128xi32, #tpu.memory_space<vmem>>
    %dma_wait3A_162 = arith.constant 0 : i32
    %dma_wait3A_163 = arith.constant 0 : i32
    %dma_wait3A_164 = tpu.memref_slice %arg7[%dma_wait3A_162, %dma_wait3A_163] : memref<100000x16xf32, #tpu.memory_space<vmem_shared>> -> memref<100000x16xf32, #tpu.memory_space<vmem_shared>>
    tpu.wait_indirect_dma semaphore(%arg12 : memref<!tpu.dma_semaphore, #tpu.memory_space<semaphore_mem>>) src(%dma_wait3A_158 : memref<128x16xf32, #tpu.memory_space<vmem>>) dst(%dma_wait3A_164 : memref<100000x16xf32, #tpu.memory_space<vmem_shared>>)
    %dma_wait3A_165 = arith.constant 0 : i32
    %dma_wait3A_166 = arith.constant 5 : i32
    %dma_wait3A_167 = arith.constant 0 : i32
    %dma_wait3A_168 = arith.constant 5 : i32
    %dma_wait3A_169 = arith.constant 0 : i32
    %dma_wait3A_170 = arith.constant 0 : i32
    %dma_wait3A_171 = tpu.memref_slice %arg10[%dma_wait3A_165, %dma_wait3A_166, %dma_wait3A_169, %dma_wait3A_170] : memref<2x6x128x16xf32, #tpu.memory_space<vmem>> -> memref<1x1x128x16xf32, #tpu.memory_space<vmem>>
    %dma_wait3A_172 = tpu.memref_squeeze %dma_wait3A_171 : memref<1x1x128x16xf32, #tpu.memory_space<vmem>> -> memref<128x16xf32, #tpu.memory_space<vmem>>
    %dma_wait3A_173 = arith.constant 0 : i32
    %dma_wait3A_174 = tpu.memref_slice %arg9[%dma_wait3A_167, %dma_wait3A_168, %dma_wait3A_173] : memref<2x6x128xi32, #tpu.memory_space<vmem>> -> memref<1x1x128xi32, #tpu.memory_space<vmem>>
    %dma_wait3A_175 = tpu.memref_squeeze %dma_wait3A_174 : memref<1x1x128xi32, #tpu.memory_space<vmem>> -> memref<128xi32, #tpu.memory_space<vmem>>
    %dma_wait3A_176 = arith.constant 0 : i32
    %dma_wait3A_177 = arith.constant 0 : i32
    %dma_wait3A_178 = tpu.memref_slice %arg7[%dma_wait3A_176, %dma_wait3A_177] : memref<100000x16xf32, #tpu.memory_space<vmem_shared>> -> memref<100000x16xf32, #tpu.memory_space<vmem_shared>>
    tpu.wait_indirect_dma semaphore(%arg12 : memref<!tpu.dma_semaphore, #tpu.memory_space<semaphore_mem>>) src(%dma_wait3A_172 : memref<128x16xf32, #tpu.memory_space<vmem>>) dst(%dma_wait3A_178 : memref<100000x16xf32, #tpu.memory_space<vmem_shared>>)
    %lt3A = arith.constant 20 : i32
    %lt3A_179 = arith.cmpi slt, %add3A, %lt3A : i32
    %convert_element_type3A = arith.extui %lt3A_179 : i1 to i32
    %cond3A = arith.constant 0 : i32
    %cond3A_180 = arith.cmpi ne, %convert_element_type3A, %cond3A : i32
    scf.if %cond3A_180 {
      %add3A_191 = arith.constant 12480 : i32
      %add3A_192 = arith.addi %add3A_191, %add3A : i32
      %run_scoped3A_193 = arith.constant 0 : i32
      %run_scoped3A_194 = arith.constant 0 : i32
      "tpu.region"() ({
        %run_scoped3A_231 = tpu.sem_alloc : memref<!tpu.dma_semaphore, #tpu.memory_space<semaphore_mem>>
        %dma_start3A_232 = arith.constant 0 : i32
        %dma_start3A_233 = arith.constant 0 : i32
        %dma_start3A_234 = tpu.memref_slice %arg8[%run_scoped3A_194, %dma_start3A_232, %dma_start3A_233] : memref<2x6x128xi32, #tpu.memory_space<vmem>> -> memref<1x1x128xi32, #tpu.memory_space<vmem>>
        %dma_start3A_235 = tpu.memref_squeeze %dma_start3A_234 : memref<1x1x128xi32, #tpu.memory_space<vmem>> -> memref<1x128xi32, #tpu.memory_space<vmem>>
        %dma_start3A_236 = arith.constant 0 : i32
        %dma_start3A_237 = tpu.memref_slice %arg3[%run_scoped3A_193, %add3A_192, %dma_start3A_236] : memref<2x12500x128xi32, #tpu.memory_space<hbm>> -> memref<1x1x128xi32, #tpu.memory_space<hbm>>
        %dma_start3A_238 = tpu.memref_squeeze %dma_start3A_237 : memref<1x1x128xi32, #tpu.memory_space<hbm>> -> memref<1x128xi32, #tpu.memory_space<hbm>>
        %dma_start3A_239 = arith.constant 0 : i32
        %dma_start3A_240 = arith.constant 0 : i32
        %dma_start3A_241 = tpu.memref_slice %arg8[%run_scoped3A_194, %dma_start3A_239, %dma_start3A_240] : memref<2x6x128xi32, #tpu.memory_space<vmem>> -> memref<1x1x128xi32, #tpu.memory_space<vmem>>
        %dma_start3A_242 = tpu.memref_squeeze %dma_start3A_241 : memref<1x1x128xi32, #tpu.memory_space<vmem>> -> memref<1x128xi32, #tpu.memory_space<vmem>>
        %dma_start3A_243 = arith.constant 0 : i32
        %dma_start3A_244 = tpu.memref_slice %arg3[%run_scoped3A_193, %add3A_192, %dma_start3A_243] : memref<2x12500x128xi32, #tpu.memory_space<hbm>> -> memref<1x1x128xi32, #tpu.memory_space<hbm>>
        %dma_start3A_245 = tpu.memref_squeeze %dma_start3A_244 : memref<1x1x128xi32, #tpu.memory_space<hbm>> -> memref<1x128xi32, #tpu.memory_space<hbm>>
        tpu.enqueue_dma source(%dma_start3A_245 : memref<1x128xi32, #tpu.memory_space<hbm>>) target(%dma_start3A_242 : memref<1x128xi32, #tpu.memory_space<vmem>>) target_semaphore(%run_scoped3A_231 : memref<!tpu.dma_semaphore, #tpu.memory_space<semaphore_mem>>)
        %dma_wait3A_246 = arith.constant 0 : i32
        %dma_wait3A_247 = arith.constant 0 : i32
        %dma_wait3A_248 = tpu.memref_slice %arg8[%run_scoped3A_194, %dma_wait3A_246, %dma_wait3A_247] : memref<2x6x128xi32, #tpu.memory_space<vmem>> -> memref<1x1x128xi32, #tpu.memory_space<vmem>>
        %dma_wait3A_249 = tpu.memref_squeeze %dma_wait3A_248 : memref<1x1x128xi32, #tpu.memory_space<vmem>> -> memref<1x128xi32, #tpu.memory_space<vmem>>
        %dma_wait3A_250 = arith.constant 0 : i32
        %dma_wait3A_251 = tpu.memref_slice %arg3[%run_scoped3A_193, %add3A_192, %dma_wait3A_250] : memref<2x12500x128xi32, #tpu.memory_space<hbm>> -> memref<1x1x128xi32, #tpu.memory_space<hbm>>
        %dma_wait3A_252 = tpu.memref_squeeze %dma_wait3A_251 : memref<1x1x128xi32, #tpu.memory_space<hbm>> -> memref<1x128xi32, #tpu.memory_space<hbm>>
        %dma_wait3A_253 = arith.constant 0 : i32
        %dma_wait3A_254 = arith.constant 0 : i32
        %dma_wait3A_255 = tpu.memref_slice %arg8[%run_scoped3A_194, %dma_wait3A_253, %dma_wait3A_254] : memref<2x6x128xi32, #tpu.memory_space<vmem>> -> memref<1x1x128xi32, #tpu.memory_space<vmem>>
        %dma_wait3A_256 = tpu.memref_squeeze %dma_wait3A_255 : memref<1x1x128xi32, #tpu.memory_space<vmem>> -> memref<1x128xi32, #tpu.memory_space<vmem>>
        %dma_wait3A_257 = arith.constant 0 : i32
        %dma_wait3A_258 = tpu.memref_slice %arg3[%run_scoped3A_193, %add3A_192, %dma_wait3A_257] : memref<2x12500x128xi32, #tpu.memory_space<hbm>> -> memref<1x1x128xi32, #tpu.memory_space<hbm>>
        %dma_wait3A_259 = tpu.memref_squeeze %dma_wait3A_258 : memref<1x1x128xi32, #tpu.memory_space<hbm>> -> memref<1x128xi32, #tpu.memory_space<hbm>>
        tpu.wait_dma2 semaphore(%run_scoped3A_231 : memref<!tpu.dma_semaphore, #tpu.memory_space<semaphore_mem>>) src(%dma_wait3A_259 : memref<1x128xi32, #tpu.memory_space<hbm>>) dst(%dma_wait3A_256 : memref<1x128xi32, #tpu.memory_space<vmem>>)
        tpu.yield
      }) : () -> ()
      %add3A_195 = arith.constant 12480 : i32
      %add3A_196 = arith.addi %add3A_195, %add3A : i32
      %run_scoped3A_197 = arith.constant 1 : i32
      %run_scoped3A_198 = arith.constant 0 : i32
      "tpu.region"() ({
        %run_scoped3A_231 = tpu.sem_alloc : memref<!tpu.dma_semaphore, #tpu.memory_space<semaphore_mem>>
        %dma_start3A_232 = arith.constant 0 : i32
        %dma_start3A_233 = arith.constant 0 : i32
        %dma_start3A_234 = tpu.memref_slice %arg9[%run_scoped3A_198, %dma_start3A_232, %dma_start3A_233] : memref<2x6x128xi32, #tpu.memory_space<vmem>> -> memref<1x1x128xi32, #tpu.memory_space<vmem>>
        %dma_start3A_235 = tpu.memref_squeeze %dma_start3A_234 : memref<1x1x128xi32, #tpu.memory_space<vmem>> -> memref<1x128xi32, #tpu.memory_space<vmem>>
        %dma_start3A_236 = arith.constant 0 : i32
        %dma_start3A_237 = tpu.memref_slice %arg3[%run_scoped3A_197, %add3A_196, %dma_start3A_236] : memref<2x12500x128xi32, #tpu.memory_space<hbm>> -> memref<1x1x128xi32, #tpu.memory_space<hbm>>
        %dma_start3A_238 = tpu.memref_squeeze %dma_start3A_237 : memref<1x1x128xi32, #tpu.memory_space<hbm>> -> memref<1x128xi32, #tpu.memory_space<hbm>>
        %dma_start3A_239 = arith.constant 0 : i32
        %dma_start3A_240 = arith.constant 0 : i32
        %dma_start3A_241 = tpu.memref_slice %arg9[%run_scoped3A_198, %dma_start3A_239, %dma_start3A_240] : memref<2x6x128xi32, #tpu.memory_space<vmem>> -> memref<1x1x128xi32, #tpu.memory_space<vmem>>
        %dma_start3A_242 = tpu.memref_squeeze %dma_start3A_241 : memref<1x1x128xi32, #tpu.memory_space<vmem>> -> memref<1x128xi32, #tpu.memory_space<vmem>>
        %dma_start3A_243 = arith.constant 0 : i32
        %dma_start3A_244 = tpu.memref_slice %arg3[%run_scoped3A_197, %add3A_196, %dma_start3A_243] : memref<2x12500x128xi32, #tpu.memory_space<hbm>> -> memref<1x1x128xi32, #tpu.memory_space<hbm>>
        %dma_start3A_245 = tpu.memref_squeeze %dma_start3A_244 : memref<1x1x128xi32, #tpu.memory_space<hbm>> -> memref<1x128xi32, #tpu.memory_space<hbm>>
        tpu.enqueue_dma source(%dma_start3A_245 : memref<1x128xi32, #tpu.memory_space<hbm>>) target(%dma_start3A_242 : memref<1x128xi32, #tpu.memory_space<vmem>>) target_semaphore(%run_scoped3A_231 : memref<!tpu.dma_semaphore, #tpu.memory_space<semaphore_mem>>)
        %dma_wait3A_246 = arith.constant 0 : i32
        %dma_wait3A_247 = arith.constant 0 : i32
        %dma_wait3A_248 = tpu.memref_slice %arg9[%run_scoped3A_198, %dma_wait3A_246, %dma_wait3A_247] : memref<2x6x128xi32, #tpu.memory_space<vmem>> -> memref<1x1x128xi32, #tpu.memory_space<vmem>>
        %dma_wait3A_249 = tpu.memref_squeeze %dma_wait3A_248 : memref<1x1x128xi32, #tpu.memory_space<vmem>> -> memref<1x128xi32, #tpu.memory_space<vmem>>
        %dma_wait3A_250 = arith.constant 0 : i32
        %dma_wait3A_251 = tpu.memref_slice %arg3[%run_scoped3A_197, %add3A_196, %dma_wait3A_250] : memref<2x12500x128xi32, #tpu.memory_space<hbm>> -> memref<1x1x128xi32, #tpu.memory_space<hbm>>
        %dma_wait3A_252 = tpu.memref_squeeze %dma_wait3A_251 : memref<1x1x128xi32, #tpu.memory_space<hbm>> -> memref<1x128xi32, #tpu.memory_space<hbm>>
        %dma_wait3A_253 = arith.constant 0 : i32
        %dma_wait3A_254 = arith.constant 0 : i32
        %dma_wait3A_255 = tpu.memref_slice %arg9[%run_scoped3A_198, %dma_wait3A_253, %dma_wait3A_254] : memref<2x6x128xi32, #tpu.memory_space<vmem>> -> memref<1x1x128xi32, #tpu.memory_space<vmem>>
        %dma_wait3A_256 = tpu.memref_squeeze %dma_wait3A_255 : memref<1x1x128xi32, #tpu.memory_space<vmem>> -> memref<1x128xi32, #tpu.memory_space<vmem>>
        %dma_wait3A_257 = arith.constant 0 : i32
        %dma_wait3A_258 = tpu.memref_slice %arg3[%run_scoped3A_197, %add3A_196, %dma_wait3A_257] : memref<2x12500x128xi32, #tpu.memory_space<hbm>> -> memref<1x1x128xi32, #tpu.memory_space<hbm>>
        %dma_wait3A_259 = tpu.memref_squeeze %dma_wait3A_258 : memref<1x1x128xi32, #tpu.memory_space<hbm>> -> memref<1x128xi32, #tpu.memory_space<hbm>>
        tpu.wait_dma2 semaphore(%run_scoped3A_231 : memref<!tpu.dma_semaphore, #tpu.memory_space<semaphore_mem>>) src(%dma_wait3A_259 : memref<1x128xi32, #tpu.memory_space<hbm>>) dst(%dma_wait3A_256 : memref<1x128xi32, #tpu.memory_space<vmem>>)
        tpu.yield
      }) : () -> ()
      %dma_start3A_199 = arith.constant 0 : i32
      %dma_start3A_200 = arith.constant 0 : i32
      %dma_start3A_201 = arith.constant 0 : i32
      %dma_start3A_202 = arith.constant 0 : i32
      %dma_start3A_203 = arith.constant 0 : i32
      %dma_start3A_204 = arith.constant 0 : i32
      %dma_start3A_205 = tpu.memref_slice %arg10[%dma_start3A_201, %dma_start3A_202, %dma_start3A_203, %dma_start3A_204] : memref<2x6x128x16xf32, #tpu.memory_space<vmem>> -> memref<1x1x128x16xf32, #tpu.memory_space<vmem>>
      %dma_start3A_206 = tpu.memref_squeeze %dma_start3A_205 : memref<1x1x128x16xf32, #tpu.memory_space<vmem>> -> memref<128x16xf32, #tpu.memory_space<vmem>>
      %dma_start3A_207 = arith.constant 0 : i32
      %dma_start3A_208 = tpu.memref_slice %arg8[%dma_start3A_199, %dma_start3A_200, %dma_start3A_207] : memref<2x6x128xi32, #tpu.memory_space<vmem>> -> memref<1x1x128xi32, #tpu.memory_space<vmem>>
      %dma_start3A_209 = tpu.memref_squeeze %dma_start3A_208 : memref<1x1x128xi32, #tpu.memory_space<vmem>> -> memref<128xi32, #tpu.memory_space<vmem>>
      %dma_start3A_210 = arith.constant 0 : i32
      %dma_start3A_211 = arith.constant 0 : i32
      %dma_start3A_212 = tpu.memref_slice %arg2[%dma_start3A_210, %dma_start3A_211] : memref<100000x16xf32, #tpu.memory_space<hbm>> -> memref<100000x16xf32, #tpu.memory_space<hbm>>
      tpu.enqueue_indirect_dma source(%dma_start3A_212 : memref<100000x16xf32, #tpu.memory_space<hbm>>) target(%dma_start3A_206 : memref<128x16xf32, #tpu.memory_space<vmem>>) offsets(%dma_start3A_209 : memref<128xi32, #tpu.memory_space<vmem>>) semaphore(%arg11 : memref<!tpu.dma_semaphore, #tpu.memory_space<semaphore_mem>>)
      %dma_wait3A_213 = arith.constant 0 : i32
      %dma_wait3A_214 = arith.constant 0 : i32
      %dma_wait3A_215 = arith.constant 0 : i32
      %dma_wait3A_216 = arith.constant 0 : i32
      %dma_wait3A_217 = arith.constant 0 : i32
      %dma_wait3A_218 = arith.constant 0 : i32
      %dma_wait3A_219 = tpu.memref_slice %arg10[%dma_wait3A_215, %dma_wait3A_216, %dma_wait3A_217, %dma_wait3A_218] : memref<2x6x128x16xf32, #tpu.memory_space<vmem>> -> memref<1x1x128x16xf32, #tpu.memory_space<vmem>>
      %dma_wait3A_220 = tpu.memref_squeeze %dma_wait3A_219 : memref<1x1x128x16xf32, #tpu.memory_space<vmem>> -> memref<128x16xf32, #tpu.memory_space<vmem>>
      %dma_wait3A_221 = arith.constant 0 : i32
      %dma_wait3A_222 = tpu.memref_slice %arg8[%dma_wait3A_213, %dma_wait3A_214, %dma_wait3A_221] : memref<2x6x128xi32, #tpu.memory_space<vmem>> -> memref<1x1x128xi32, #tpu.memory_space<vmem>>
      %dma_wait3A_223 = tpu.memref_squeeze %dma_wait3A_222 : memref<1x1x128xi32, #tpu.memory_space<vmem>> -> memref<128xi32, #tpu.memory_space<vmem>>
      %dma_wait3A_224 = arith.constant 0 : i32
      %dma_wait3A_225 = arith.constant 0 : i32
      %dma_wait3A_226 = tpu.memref_slice %arg2[%dma_wait3A_224, %dma_wait3A_225] : memref<100000x16xf32, #tpu.memory_space<hbm>> -> memref<100000x16xf32, #tpu.memory_space<hbm>>
      tpu.wait_indirect_dma semaphore(%arg11 : memref<!tpu.dma_semaphore, #tpu.memory_space<semaphore_mem>>) src(%dma_wait3A_226 : memref<100000x16xf32, #tpu.memory_space<hbm>>) dst(%dma_wait3A_220 : memref<128x16xf32, #tpu.memory_space<vmem>>)
      %run_scoped3A_227 = arith.constant 0 : i32
      %run_scoped3A_228 = arith.constant 0 : i32
      %run_scoped3A_229 = arith.constant 0 : i32
      %run_scoped3A_230 = arith.constant 0 : i32
      "tpu.region"() ({
        %run_scoped3A_231 = tpu.sem_alloc : memref<!tpu.dma_semaphore, #tpu.memory_space<semaphore_mem>>
        %dma_start3A_232 = arith.constant 0 : i32
        %dma_start3A_233 = arith.constant 0 : i32
        %dma_start3A_234 = tpu.memref_slice %arg10[%run_scoped3A_227, %run_scoped3A_228, %dma_start3A_232, %dma_start3A_233] : memref<2x6x128x16xf32, #tpu.memory_space<vmem>> -> memref<1x1x128x16xf32, #tpu.memory_space<vmem>>
        %dma_start3A_235 = tpu.memref_squeeze %dma_start3A_234 : memref<1x1x128x16xf32, #tpu.memory_space<vmem>> -> memref<128x16xf32, #tpu.memory_space<vmem>>
        %dma_start3A_236 = arith.constant 0 : i32
        %dma_start3A_237 = tpu.memref_slice %arg9[%run_scoped3A_229, %run_scoped3A_230, %dma_start3A_236] : memref<2x6x128xi32, #tpu.memory_space<vmem>> -> memref<1x1x128xi32, #tpu.memory_space<vmem>>
        %dma_start3A_238 = tpu.memref_squeeze %dma_start3A_237 : memref<1x1x128xi32, #tpu.memory_space<vmem>> -> memref<128xi32, #tpu.memory_space<vmem>>
        %dma_start3A_239 = arith.constant 0 : i32
        %dma_start3A_240 = arith.constant 0 : i32
        %dma_start3A_241 = tpu.memref_slice %arg7[%dma_start3A_239, %dma_start3A_240] : memref<100000x16xf32, #tpu.memory_space<vmem_shared>> -> memref<100000x16xf32, #tpu.memory_space<vmem_shared>>
        tpu.enqueue_indirect_dma source(%dma_start3A_235 : memref<128x16xf32, #tpu.memory_space<vmem>>) target(%dma_start3A_241 : memref<100000x16xf32, #tpu.memory_space<vmem_shared>>) offsets(%dma_start3A_238 : memref<128xi32, #tpu.memory_space<vmem>>) semaphore(%run_scoped3A_231 : memref<!tpu.dma_semaphore, #tpu.memory_space<semaphore_mem>>) {add = true}
        %dma_wait3A_242 = arith.constant 0 : i32
        %dma_wait3A_243 = arith.constant 0 : i32
        %dma_wait3A_244 = tpu.memref_slice %arg10[%run_scoped3A_227, %run_scoped3A_228, %dma_wait3A_242, %dma_wait3A_243] : memref<2x6x128x16xf32, #tpu.memory_space<vmem>> -> memref<1x1x128x16xf32, #tpu.memory_space<vmem>>
        %dma_wait3A_245 = tpu.memref_squeeze %dma_wait3A_244 : memref<1x1x128x16xf32, #tpu.memory_space<vmem>> -> memref<128x16xf32, #tpu.memory_space<vmem>>
        %dma_wait3A_246 = arith.constant 0 : i32
        %dma_wait3A_247 = tpu.memref_slice %arg9[%run_scoped3A_229, %run_scoped3A_230, %dma_wait3A_246] : memref<2x6x128xi32, #tpu.memory_space<vmem>> -> memref<1x1x128xi32, #tpu.memory_space<vmem>>
        %dma_wait3A_248 = tpu.memref_squeeze %dma_wait3A_247 : memref<1x1x128xi32, #tpu.memory_space<vmem>> -> memref<128xi32, #tpu.memory_space<vmem>>
        %dma_wait3A_249 = arith.constant 0 : i32
        %dma_wait3A_250 = arith.constant 0 : i32
        %dma_wait3A_251 = tpu.memref_slice %arg7[%dma_wait3A_249, %dma_wait3A_250] : memref<100000x16xf32, #tpu.memory_space<vmem_shared>> -> memref<100000x16xf32, #tpu.memory_space<vmem_shared>>
        tpu.wait_indirect_dma semaphore(%run_scoped3A_231 : memref<!tpu.dma_semaphore, #tpu.memory_space<semaphore_mem>>) src(%dma_wait3A_245 : memref<128x16xf32, #tpu.memory_space<vmem>>) dst(%dma_wait3A_251 : memref<100000x16xf32, #tpu.memory_space<vmem_shared>>)
        tpu.yield
      }) : () -> ()
    } else {
    }
    %barrier3A_181 = arith.constant 0 : index
    tpu.barrier barrier_id(%barrier3A_181)
    %eq3A = arith.constant 0 : i32
    %eq3A_182 = arith.cmpi eq, %arg0, %eq3A : i32
    %convert_element_type3A_183 = arith.extui %eq3A_182 : i1 to i32
    %cond3A_184 = arith.constant 0 : i32
    %cond3A_185 = arith.cmpi ne, %convert_element_type3A_183, %cond3A_184 : i32
    scf.if %cond3A_185 {
      "tpu.region"() ({
        %run_scoped3A_191 = tpu.sem_alloc : memref<!tpu.dma_semaphore, #tpu.memory_space<semaphore_mem>>
        %dma_start3A_192 = arith.constant 0 : i32
        %dma_start3A_193 = tpu.memref_slice %arg5[%mul3A_0, %dma_start3A_192] : memref<100000x16xf32, #tpu.memory_space<hbm>> -> memref<6250x16xf32, #tpu.memory_space<hbm>>
        %dma_start3A_194 = arith.constant 0 : i32
        %dma_start3A_195 = tpu.memref_slice %arg7[%mul3A_0, %dma_start3A_194] : memref<100000x16xf32, #tpu.memory_space<vmem_shared>> -> memref<6250x16xf32, #tpu.memory_space<vmem_shared>>
        tpu.enqueue_dma source(%dma_start3A_195 : memref<6250x16xf32, #tpu.memory_space<vmem_shared>>) target(%dma_start3A_193 : memref<6250x16xf32, #tpu.memory_space<hbm>>) target_semaphore(%run_scoped3A_191 : memref<!tpu.dma_semaphore, #tpu.memory_space<semaphore_mem>>)
        %dma_wait3A_196 = arith.constant 0 : i32
        %dma_wait3A_197 = tpu.memref_slice %arg5[%mul3A_0, %dma_wait3A_196] : memref<100000x16xf32, #tpu.memory_space<hbm>> -> memref<6250x16xf32, #tpu.memory_space<hbm>>
        %dma_wait3A_198 = arith.constant 0 : i32
        %dma_wait3A_199 = tpu.memref_slice %arg7[%mul3A_0, %dma_wait3A_198] : memref<100000x16xf32, #tpu.memory_space<vmem_shared>> -> memref<6250x16xf32, #tpu.memory_space<vmem_shared>>
        tpu.wait_dma2 semaphore(%run_scoped3A_191 : memref<!tpu.dma_semaphore, #tpu.memory_space<semaphore_mem>>) src(%dma_wait3A_199 : memref<6250x16xf32, #tpu.memory_space<vmem_shared>>) dst(%dma_wait3A_197 : memref<6250x16xf32, #tpu.memory_space<hbm>>)
        tpu.yield
      }) : () -> ()
    } else {
    }
    %eq3A_186 = arith.constant 1 : i32
    %eq3A_187 = arith.cmpi eq, %arg0, %eq3A_186 : i32
    %convert_element_type3A_188 = arith.extui %eq3A_187 : i1 to i32
    %cond3A_189 = arith.constant 0 : i32
    %cond3A_190 = arith.cmpi ne, %convert_element_type3A_188, %cond3A_189 : i32
    scf.if %cond3A_190 {
      "tpu.region"() ({
        %run_scoped3A_191 = tpu.sem_alloc : memref<!tpu.dma_semaphore, #tpu.memory_space<semaphore_mem>>
        %dma_start3A_192 = arith.constant 0 : i32
        %dma_start3A_193 = tpu.memref_slice %arg6[%mul3A_0, %dma_start3A_192] : memref<100000x16xf32, #tpu.memory_space<hbm>> -> memref<6250x16xf32, #tpu.memory_space<hbm>>
        %dma_start3A_194 = arith.constant 0 : i32
        %dma_start3A_195 = tpu.memref_slice %arg7[%mul3A_0, %dma_start3A_194] : memref<100000x16xf32, #tpu.memory_space<vmem_shared>> -> memref<6250x16xf32, #tpu.memory_space<vmem_shared>>
        tpu.enqueue_dma source(%dma_start3A_195 : memref<6250x16xf32, #tpu.memory_space<vmem_shared>>) target(%dma_start3A_193 : memref<6250x16xf32, #tpu.memory_space<hbm>>) target_semaphore(%run_scoped3A_191 : memref<!tpu.dma_semaphore, #tpu.memory_space<semaphore_mem>>)
        %dma_wait3A_196 = arith.constant 0 : i32
        %dma_wait3A_197 = tpu.memref_slice %arg6[%mul3A_0, %dma_wait3A_196] : memref<100000x16xf32, #tpu.memory_space<hbm>> -> memref<6250x16xf32, #tpu.memory_space<hbm>>
        %dma_wait3A_198 = arith.constant 0 : i32
        %dma_wait3A_199 = tpu.memref_slice %arg7[%mul3A_0, %dma_wait3A_198] : memref<100000x16xf32, #tpu.memory_space<vmem_shared>> -> memref<6250x16xf32, #tpu.memory_space<vmem_shared>>
        tpu.wait_dma2 semaphore(%run_scoped3A_191 : memref<!tpu.dma_semaphore, #tpu.memory_space<semaphore_mem>>) src(%dma_wait3A_199 : memref<6250x16xf32, #tpu.memory_space<vmem_shared>>) dst(%dma_wait3A_197 : memref<6250x16xf32, #tpu.memory_space<hbm>>)
        tpu.yield
      }) : () -> ()
    } else {
    }
    return
  }
}

module attributes {stable_mosaic.version = 14 : i64} {
  func.func @_gates_body(%arg0: i32, %arg1: memref<2048x38xf32, #tpu.memory_space<vmem>>, %arg2: memref<38x16xf32, #tpu.memory_space<vmem>>, %arg3: memref<16x2048xf32, #tpu.memory_space<vmem>>) attributes {dimension_semantics = [#tpu.dimension_semantics<arbitrary>], iteration_bounds = array<i64: 49>, scalar_prefetch = 0 : i64, scratch_operands = 0 : i64, tpu.core_type = #tpu.core_type<tc>, window_params = [{transform_indices = @transform_0, window_bounds = array<i64: 2048, 38>}, {pipeline_mode = #tpu.pipeline_mode<synchronous>, transform_indices = @transform_1, window_bounds = array<i64: 38, 16>}, {transform_indices = @transform_2, window_bounds = array<i64: 16, 2048>}]} {
    %get3A = arith.constant 0 : index
    %get3A_0 = arith.constant 0 : index
    %get3A_1 = vector.load %arg2[%get3A, %get3A_0] : memref<38x16xf32, #tpu.memory_space<vmem>>, vector<38x16xf32>
    %get3A_2 = arith.constant 0 : index
    %get3A_3 = arith.constant 0 : index
    %get3A_4 = vector.load %arg1[%get3A_2, %get3A_3] : memref<2048x38xf32, #tpu.memory_space<vmem>>, vector<2048x38xf32>
    %dot_general3A = arith.constant dense<0.000000e+00> : vector<16x2048xf32>
    %dot_general3A_5 = tpu.matmul %get3A_1, %get3A_4, %dot_general3A {dimension_numbers = #tpu.dot_dimension_numbers<[0], [1], [1], [0], [0, 1, 1, 0], [], []>, transpose_lhs_hint = false} : vector<38x16xf32>, vector<2048x38xf32>, vector<16x2048xf32> -> vector<16x2048xf32>
    %swap3A = arith.constant 0 : index
    %swap3A_6 = arith.constant 0 : index
    %swap3A_7 = vector.load %arg3[%swap3A, %swap3A_6] : memref<16x2048xf32, #tpu.memory_space<vmem>>, vector<16x2048xf32>
    tpu.vector_store %arg3[%swap3A, %swap3A_6], %dot_general3A_5 {strides = array<i32>} : memref<16x2048xf32, #tpu.memory_space<vmem>>, vector<16x2048xf32>,
    return
  }
  func.func @transform_0(%arg0: i32) -> (i32, i32) {
    %c0_i32 = arith.constant 0 : i32
    %c0_i32_0 = arith.constant 0 : i32
    return %arg0, %c0_i32 : i32, i32
  }
  func.func @transform_1(%arg0: i32) -> (i32, i32) {
    %c0_i32 = arith.constant 0 : i32
    %c0_i32_0 = arith.constant 0 : i32
    %c0_i32_1 = arith.constant 0 : i32
    return %c0_i32, %c0_i32_0 : i32, i32
  }
  func.func @transform_2(%arg0: i32) -> (i32, i32) {
    %c0_i32 = arith.constant 0 : i32
    %c0_i32_0 = arith.constant 0 : i32
    return %c0_i32, %arg0 : i32, i32
  }
}

module attributes {stable_mosaic.version = 14 : i64} {
  func.func @_out_body(%arg0: i32, %arg1: memref<1024x38xf32, #tpu.memory_space<vmem>>, %arg2: memref<16x1024xf32, #tpu.memory_space<vmem>>, %arg3: memref<16x1024xf32, #tpu.memory_space<vmem>>, %arg4: memref<16x38xf32, #tpu.memory_space<vmem>>, %arg5: memref<38x128xf32, #tpu.memory_space<vmem>>, %arg6: memref<1024x128xf32, #tpu.memory_space<vmem>>, %arg7: memref<16x1024xf32, #tpu.memory_space<vmem>>) attributes {dimension_semantics = [#tpu.dimension_semantics<arbitrary>], iteration_bounds = array<i64: 98>, scalar_prefetch = 0 : i64, scratch_operands = 0 : i64, tpu.core_type = #tpu.core_type<tc>, window_params = [{transform_indices = @transform_0, window_bounds = array<i64: 1024, 38>}, {transform_indices = @transform_1, window_bounds = array<i64: 16, 1024>}, {transform_indices = @transform_2, window_bounds = array<i64: 16, 1024>}, {pipeline_mode = #tpu.pipeline_mode<synchronous>, transform_indices = @transform_3, window_bounds = array<i64: 16, 38>}, {pipeline_mode = #tpu.pipeline_mode<synchronous>, transform_indices = @transform_4, window_bounds = array<i64: 38, 128>}, {transform_indices = @transform_5, window_bounds = array<i64: 1024, 128>}, {transform_indices = @transform_6, window_bounds = array<i64: 16, 1024>}]} {
    %get3A = arith.constant 0 : index
    %get3A_0 = arith.constant 0 : index
    %get3A_1 = vector.load %arg2[%get3A, %get3A_0] : memref<16x1024xf32, #tpu.memory_space<vmem>>, vector<16x1024xf32>
    %get3A_2 = arith.constant 0 : index
    %get3A_3 = arith.constant 0 : index
    %get3A_4 = vector.load %arg3[%get3A_2, %get3A_3] : memref<16x1024xf32, #tpu.memory_space<vmem>>, vector<16x1024xf32>
    %add3A = arith.addf %get3A_1, %get3A_4 : vector<16x1024xf32>
    %iota3A = tpu.iota {dimensions = array<i32: 0>} : vector<16x1024xi32>
    %lt3A = arith.constant 9 : i32
    %lt3A_5 = vector.broadcast %lt3A : i32 to vector<16x1024xi32>
    %lt3A_6 = arith.cmpi slt, %iota3A, %lt3A_5 : vector<16x1024xi32>
    %jit3A = arith.constant -1.000000e+30 : f32
    %broadcast_in_dim3A = vector.broadcast %jit3A : f32 to vector<16x1024xf32>
    %select_n3A = arith.select %lt3A_6, %add3A, %broadcast_in_dim3A : vector<16x1024xi1>, vector<16x1024xf32>
    %reduce_max3A = arith.constant dense<0xFF800000> : vector<1024xf32>
    %reduce_max3A_7 = vector.multi_reduction <maximumf>, %select_n3A, %reduce_max3A [0] : vector<16x1024xf32> to vector<1024xf32>
    %broadcast_in_dim3A_8 = vector.shape_cast %reduce_max3A_7 : vector<1024xf32> to vector<1x1024xf32>
    %sub3A = vector.broadcast %broadcast_in_dim3A_8 : vector<1x1024xf32> to vector<16x1024xf32>
    %sub3A_9 = arith.subf %select_n3A, %sub3A : vector<16x1024xf32>
    %exp3A = math.exp %sub3A_9 : vector<16x1024xf32>
    %jit3A_10 = arith.constant 0.000000e+00 : f32
    %broadcast_in_dim3A_11 = vector.broadcast %jit3A_10 : f32 to vector<16x1024xf32>
    %select_n3A_12 = arith.select %lt3A_6, %exp3A, %broadcast_in_dim3A_11 : vector<16x1024xi1>, vector<16x1024xf32>
    %reduce_sum3A = arith.constant dense<0.000000e+00> : vector<1024xf32>
    %reduce_sum3A_13 = vector.multi_reduction <add>, %select_n3A_12, %reduce_sum3A [0] : vector<16x1024xf32> to vector<1024xf32>
    %broadcast_in_dim3A_14 = vector.shape_cast %reduce_sum3A_13 : vector<1024xf32> to vector<1x1024xf32>
    %div3A = vector.broadcast %broadcast_in_dim3A_14 : vector<1x1024xf32> to vector<16x1024xf32>
    %div3A_15 = arith.divf %select_n3A_12, %div3A : vector<16x1024xf32>
    %swap3A = arith.constant 0 : index
    %swap3A_16 = arith.constant 0 : index
    %swap3A_17 = vector.load %arg7[%swap3A, %swap3A_16] : memref<16x1024xf32, #tpu.memory_space<vmem>>, vector<16x1024xf32>
    tpu.vector_store %arg7[%swap3A, %swap3A_16], %div3A_15 {strides = array<i32>} : memref<16x1024xf32, #tpu.memory_space<vmem>>, vector<16x1024xf32>,
    %get3A_18 = arith.constant 0 : index
    %get3A_19 = arith.constant 0 : index
    %get3A_20 = vector.load %arg4[%get3A_18, %get3A_19] : memref<16x38xf32, #tpu.memory_space<vmem>>, vector<16x38xf32>
    %dot_general3A = arith.constant dense<0.000000e+00> : vector<1024x38xf32>
    %dot_general3A_21 = tpu.matmul %div3A_15, %get3A_20, %dot_general3A {dimension_numbers = #tpu.dot_dimension_numbers<[0], [0], [1], [1], [0, 1, 1, 1], [], []>, transpose_lhs_hint = false} : vector<16x1024xf32>, vector<16x38xf32>, vector<1024x38xf32> -> vector<1024x38xf32>
    %get3A_22 = arith.constant 0 : index
    %get3A_23 = arith.constant 0 : index
    %get3A_24 = vector.load %arg1[%get3A_22, %get3A_23] : memref<1024x38xf32, #tpu.memory_space<vmem>>, vector<1024x38xf32>
    %mul3A = arith.mulf %get3A_24, %dot_general3A_21 : vector<1024x38xf32>
    %get3A_25 = arith.constant 0 : index
    %get3A_26 = arith.constant 0 : index
    %get3A_27 = vector.load %arg5[%get3A_25, %get3A_26] : memref<38x128xf32, #tpu.memory_space<vmem>>, vector<38x128xf32>
    %dot_general3A_28 = arith.constant dense<0.000000e+00> : vector<1024x128xf32>
    %dot_general3A_29 = tpu.matmul %mul3A, %get3A_27, %dot_general3A_28 {dimension_numbers = #tpu.dot_dimension_numbers<[1], [0], [0], [1], [0, 0, 1, 1], [], []>, transpose_lhs_hint = false} : vector<1024x38xf32>, vector<38x128xf32>, vector<1024x128xf32> -> vector<1024x128xf32>
    %swap3A_30 = arith.constant 0 : index
    %swap3A_31 = arith.constant 0 : index
    %swap3A_32 = vector.load %arg6[%swap3A_30, %swap3A_31] : memref<1024x128xf32, #tpu.memory_space<vmem>>, vector<1024x128xf32>
    tpu.vector_store %arg6[%swap3A_30, %swap3A_31], %dot_general3A_29 {strides = array<i32>} : memref<1024x128xf32, #tpu.memory_space<vmem>>, vector<1024x128xf32>,
    return
  }
  func.func @transform_0(%arg0: i32) -> (i32, i32) {
    %c0_i32 = arith.constant 0 : i32
    %c0_i32_0 = arith.constant 0 : i32
    return %arg0, %c0_i32 : i32, i32
  }
  func.func @transform_1(%arg0: i32) -> (i32, i32) {
    %c0_i32 = arith.constant 0 : i32
    %c0_i32_0 = arith.constant 0 : i32
    return %c0_i32, %arg0 : i32, i32
  }
  func.func @transform_2(%arg0: i32) -> (i32, i32) {
    %c0_i32 = arith.constant 0 : i32
    %c0_i32_0 = arith.constant 0 : i32
    return %c0_i32, %arg0 : i32, i32
  }
  func.func @transform_3(%arg0: i32) -> (i32, i32) {
    %c0_i32 = arith.constant 0 : i32
    %c0_i32_0 = arith.constant 0 : i32
    %c0_i32_1 = arith.constant 0 : i32
    return %c0_i32, %c0_i32_0 : i32, i32
  }
  func.func @transform_4(%arg0: i32) -> (i32, i32) {
    %c0_i32 = arith.constant 0 : i32
    %c0_i32_0 = arith.constant 0 : i32
    %c0_i32_1 = arith.constant 0 : i32
    return %c0_i32, %c0_i32_0 : i32, i32
  }
  func.func @transform_5(%arg0: i32) -> (i32, i32) {
    %c0_i32 = arith.constant 0 : i32
    %c0_i32_0 = arith.constant 0 : i32
    return %arg0, %c0_i32 : i32, i32
  }
  func.func @transform_6(%arg0: i32) -> (i32, i32) {
    %c0_i32 = arith.constant 0 : i32
    %c0_i32_0 = arith.constant 0 : i32
    return %c0_i32, %arg0 : i32, i32
  }
}

</mosaic_0001>

<sc_bundles>
// kernel: kernel.5.cloned.1.call-start
scs
__scs_entry_jumppad:
0x0: {  	(pc) =	sbr.rel $0x88, $3  }
0x1: {  	(tag) =	ssettag $0x0;
	lr =	simm.s32 $0x1  }
0x2: {  	[smem:$0x3F8D] =	sst lr;
	_ =	strace $0xD0000000  }
0x3: {  	_ = 	snop  }
0x4: {  	_ = 	snop  }
0x5: {  	_ = 	snop  }
0x6: {  	_ = 	snop  }
0x7: {  	_ = 	snop  }
__scs_overlays_trampoline_lowered:
0x8: {  	[smem:$0x3F9C] =	sst s0  }
0x9: {  	[smem:$0x3F9D] =	sst s1  }
0xa: {  	[smem:$0x3F9E] =	sst s2  }
0xb: {  	[smem:$0x3F9F] =	sst s3  }
0xc: {  	[smem:$0x3FA0] =	sst s4  }
0xd: {  	[smem:$0x3FA1] =	sst s5  }
0xe: {  	[smem:$0x3FA2] =	sst s6  }
0xf: {  	[smem:$0x3FA3] =	sst s7  }
0x10: {  	[smem:$0x3FA4] =	sst s8  }
0x11: {  	[smem:$0x3FA5] =	sst s9;
	s0 =	simm.s32 @!p0 $0x0  }
0x12: {  	s1 =	sld [smem:$0x3F8B];
	s0 =	simm.s32 @p0 $0x1  }
0x13: {  	[smem:$0x3FA6] =	sst s0;
	s0 =	simm.s32 @!p1 $0x0  }
0x14: {  	s2 =	sld [smem:$0x3F8A];
	s0 =	simm.s32 @p1 $0x1  }
0x15: {  	[smem:$0x3FA7] =	sst s0;
	s0 =	simm.s32 @!p2 $0x0  }
0x16: {  	s3 =	sld [smem:$0x3FDB];
	s0 =	simm.s32 @p2 $0x1  }
0x17: {  	s4 =	simm.s32 $0x1BF5;
	[smem:$0x3FA9] =	sst s0  }
0x18: {  	s0 =	sld [smem:$0x3F8C];
	_ =	swait.ge [sflag:s4], $0x0  }
0x19: {  	s7 =	sld [smem:$0x3F8D]  }
0x1a: {  	s8 =	sadd.s32 $0xFFFFE003, lr  }
0x1b: {  	s9 =	sadd.s32 $0xFFFFFEF7, lr;
	s5 =	simm.s32 $0xFFFFFFFF;
	p2 =	slt.u32 s8, $0xFFFFF086  }
0x1c: {  	p1 =	slt.u32 s9, $0xF7A;
	s5 =	simm.s32 @!p2 $0x0  }
0x1d: {  	s5 =	simm.s32 @p1 $0x1;
	p0 =	seq.s32 s7, s2  }
0x1e: {  	s7 =	smul.u32 @!p0 $0xF7A, s2;
	p2 =	seq.s32 @!p0 s5, $0x0  }
0x1f: {  	s9 =	smul.u32 $0xF7A, s1;
	s8 =	simm.s32 @!p0 $0x1BF5;
	p2 =	por !p2, p0  }
0x20: {  	[sflag:s8] =	ssyncset.s32 @!p0 $0xFFFFF086;
	s6 =	sadd.s32 @!p0 s3, s7;
	s7 =	simm.s32 @!p0 $0x108  }
0x21: {  	s3 =	sadd.s32 s3, s9;
	s6 =	sadd.s32 @!p0 $0x88, s6;
	s7 =	simm.s32 @p2 $0x1082  }
0x22: {  	[simem:s7], [sflag:s8] =	dma.local @!p0 [hbm:s6], $0xF7A  }
0x23: {  	s9 =	sor.u32 $0xD0000000, s2;
	s6 =	simm.s32 $0x108;
	_ =	swait.ge @!p0 [sflag:s8], $0x0  }
0x24: {  	s3 =	sadd.s32 $0x88, s3;
	s6 =	simm.s32 @!p1 $0x1082;
	[sflag:s4] =	ssyncset.s32 $0xFFFFF086  }
0x25: {  	[simem:s6], [sflag:s4] =	dma.local [hbm:s3], $0xF7A  }
0x26: {  	[smem:$0x3F8D] =	sst s1;
	(tag) =	ssettag s2;
	_ =	strace s9  }
0x27: {  	s1 =	sld [smem:$0x3F9D]  }
0x28: {  	s2 =	sld [smem:$0x3F9E]  }
0x29: {  	s4 =	sld [smem:$0x3FA0]  }
0x2a: {  	p0 =	seq.s32 s5, $0x0;
	s5 =	sld [smem:$0x3FA1]  }
0x2b: {  	s6 =	sld [smem:$0x3FA2]  }
0x2c: {  	s7 =	sld [smem:$0x3FA3]  }
0x2d: {  	s3 =	simm.s32 $0x108;
	s8 =	sld [smem:$0x3FA4]  }
0x2e: {  	s3 =	simm.s32 @!p0 $0x1082;
	s9 =	sld [smem:$0x3FA5]  }
0x2f: {  	lr =	sadd.s32 s0, s3;
	s0 =	sld [smem:$0x3F9C]  }
0x30: {  	s3 =	sld [smem:$0x3F9F]  }
0x31: {  	[smem:$0x3FA8] =	sst s10  }
0x32: {  	s10 =	sld [smem:$0x3FA6];
	_ =	sdelay $0x3  }
0x33: {  	p0 =	seq.s32 s10, $0x1;
	s10 =	sld [smem:$0x3FA8];
	_ =	sdelay $0x3  }
0x34: {  	[smem:$0x3FA8] =	sst s10  }
0x35: {  	s10 =	sld [smem:$0x3FA7];
	_ =	sdelay $0x3  }
0x36: {  	p1 =	seq.s32 s10, $0x1;
	s10 =	sld [smem:$0x3FA8];
	_ =	sdelay $0x3  }
0x37: {  	[smem:$0x3FA8] =	sst s10  }
0x38: {  	s10 =	sld [smem:$0x3FA9]  }
0x39: {  	_ = 	snop;
	(pc) =	sbr.ind lr, $3  }
0x3a: {  	_ = 	snop  }
0x3b: {  	_ = 	snop  }
0x3c: {  	p2 =	seq.s32 s10, $0x1;
	s10 =	sld [smem:$0x3FA8]  }
0x3d: {  	_ =	shalt  }
0x3e: {  	_ =	shalt  }
0x3f: {  	_ =	shalt  }
0x40: {  	_ =	shalt  }
0x41: {  	_ =	shalt  }
0x42: {  	_ =	shalt  }
0x43: {  	_ =	shalt  }
0x44: {  	_ =	shalt  }
0x45: {  	_ =	shalt  }
0x46: {  	_ =	shalt  }
0x47: {  	_ =	shalt  }
0x48: {  	_ =	shalt  }
0x49: {  	_ =	shalt  }
0x4a: {  	_ =	shalt  }
0x4b: {  	_ =	shalt  }
0x4c: {  	_ =	shalt  }
0x4d: {  	_ =	shalt  }
0x4e: {  	_ =	shalt  }
0x4f: {  	_ =	shalt  }
0x50: {  	_ =	shalt  }
0x51: {  	_ =	shalt  }
0x52: {  	_ =	shalt  }
0x53: {  	_ =	shalt  }
0x54: {  	_ =	shalt  }
0x55: {  	_ =	shalt  }
0x56: {  	_ =	shalt  }
0x57: {  	_ =	shalt  }
0x58: {  	_ =	shalt  }
0x59: {  	_ =	shalt  }
0x5a: {  	_ =	shalt  }
0x5b: {  	_ =	shalt  }
0x5c: {  	_ =	shalt  }
0x5d: {  	_ =	shalt  }
0x5e: {  	_ =	shalt  }
0x5f: {  	_ =	shalt  }
0x60: {  	_ =	shalt  }
0x61: {  	_ =	shalt  }
0x62: {  	_ =	shalt  }
0x63: {  	_ =	shalt  }
0x64: {  	_ =	shalt  }
0x65: {  	_ =	shalt  }
0x66: {  	_ =	shalt  }
0x67: {  	_ =	shalt  }
0x68: {  	_ =	shalt  }
0x69: {  	_ =	shalt  }
0x6a: {  	_ =	shalt  }
0x6b: {  	_ =	shalt  }
0x6c: {  	_ =	shalt  }
0x6d: {  	_ =	shalt  }
0x6e: {  	_ =	shalt  }
0x6f: {  	_ =	shalt  }
0x70: {  	_ =	shalt  }
0x71: {  	_ =	shalt  }
0x72: {  	_ =	shalt  }
0x73: {  	_ =	shalt  }
0x74: {  	_ =	shalt  }
0x75: {  	_ =	shalt  }
0x76: {  	_ =	shalt  }
0x77: {  	_ =	shalt  }
0x78: {  	_ =	shalt  }
0x79: {  	_ =	shalt  }
0x7a: {  	_ =	shalt  }
0x7b: {  	_ =	shalt  }
0x7c: {  	_ =	shalt  }
0x7d: {  	_ =	shalt  }
0x7e: {  	_ =	shalt  }
0x7f: {  	_ =	shalt  }
0x80: {  	_ =	shalt  }
0x81: {  	_ =	shalt  }
0x82: {  	_ =	shalt  }
0x83: {  	_ =	shalt  }
0x84: {  	_ =	shalt  }
0x85: {  	_ =	shalt  }
0x86: {  	_ =	shalt  }
0x87: {  	_ =	shalt  }
.Lfunc_end0:
.L_simem_size_0:
called_computation_lowered:
.L_overlay_start_0:
0x88: {  	s2 =	sld [smem:$0x3FD9]  }
0x89: {  	s3 =	sld [smem:$0x3FFE];
	_ =	sdelay $0x1  }
0x8a: {  	s1 =	srdreg.scid  }
0x8b: {  	s0 =	sand.u32 $0x1, s1  }
0x8c: {  	s14 =	sshll.u32 s0, $0xA;
	s2 =	sadd.s32 s3, s2  }
0x8d: {  	s2 =	sadd.s32 s2, s14  }
0x8e: {  	[smem:$0x3FB4] =	sst s2  }
0x8f: {  	_ = 	snop  }
0x90: {  	s2 =	sld [smem:$0x3FD0];
	_ =	sdelay $0x2  }
0x91: {  	s15 =	simm.s32 $0xA;
	s4 =	simm.s32 $0x10  }
0x92: {  	[smem:s4], [sflag:s15] =	dma.local [hbm:s2], $0x1  }
0x93: {  	_ =	swait.eq [sflag:s15], $0x1  }
0x94: {  	[sflag:s15] =	ssyncset.done $0x0  }
0x95: {  	s16 =	sld [smem:$0x10];
	[sflag:s15] =	ssyncadd.s32 $0xFFFFFFFF  }
0x96: {  	s17 =	sld [smem:$0x11];
	(tm) =	ssettm $0x1  }
0x97: {  	s18 =	sld [smem:$0x3FFB];
	_ =	sdelay $0x3  }
0x98: {  	_ =	strace s18  }
0x99: {  	s4 =	sld [smem:$0x3FFC];
	_ =	sdelay $0x3  }
0x9a: {  	_ =	strace s4  }
0x9b: {  	s4 =	sld [smem:$0x3FFD];
	_ =	sdelay $0x3  }
0x9c: {  	_ =	strace s4  }
0x9d: {  	_ =	strace $0x8FFFFFFF  }
0x9e: {  	s19 =	sld [smem:$0x3FDB];
	_ =	sdelay $0x1  }
0x9f: {  	s5 =	simm.s32 $_scs_section_size  }
0xa0: {  	s6 =	simm.s32 $_size__tile_overlayer_lowered;
	s7 =	simm.s32 $_tile_overlayer_lowered  }
0xa1: {  	s22 =	simm.s32 $0x1BFF;
	s21 =	sshll.u32 s7, $0x1;
	s4 =	sadd.s32 s5, s19  }
0xa2: {  	s8 =	simm.s32 $0x0;
	s20 =	sshll.u32 s6, $0x1;
	s6 =	sadd.s32 s21, s4  }
0xa3: {  	[timem:s8], [sflag:s22] =	dma.local [hbm:s6], s20  }
0xa4: {  	_ =	swait.ge [sflag:s22], s20  }
0xa5: {  	s5 =	ssub.s32 $0x0, s20;
	[sflag:s22] =	ssyncset.done $0x0  }
0xa6: {  	[sflag:s22] =	ssyncadd.s32 s5;
	_ =	sdelay $0x1  }
0xa7: {  	s23 =	simm.s32 $0x1B8B  }
0xa8: {  	_ =	swait.ge [sflag:s23], $0x1  }
0xa9: {  	[sflag:s23] =	ssyncset.done $0x0  }
0xaa: {  	s25 =	simm.s32 $0x1B8E;
	s24 =	sld [smem:$0x3FFE];
	[sflag:s23] =	ssyncadd.s32 $0xFFFFFFFF  }
0xab: {  	s26 =	simm.s32 $execute0_lowered;
	[smem:$0x3FD2] =	sst s25  }
0xac: {  	s6 =	sshll.u32 s26, $0x1;
	_ =	strace $0x80000046;
	[dreg:$0x1] =	wrdreg $0xFFFFFFFF  }
0xad: {  	s28 =	simm.s32 $_size_execute0_lowered;
	s4 =	sadd.s32 s4, s6;
	[dreg:$0x0] =	wrdreg $0x0  }
0xae: {  	s6 =	sshll.u32 s28, $0x1;
	[dreg:$0x2] =	wrdreg s4  }
0xaf: {  	[dreg:$0x3] =	wrdreg s6  }
0xb0: {  	[dreg:$0x4] =	wrdreg $0xC0  }
0xb1: {  	_ =	task [dreg:s8], $0x5FFFF  }
0xb2: {  	[dreg:$0x1] =	wrdreg $0xFFFFFFFF  }
0xb3: {  	[dreg:$0x0] =	wrdreg $0x60  }
0xb4: {  	[dreg:$0x2] =	wrdreg s24  }
0xb5: {  	[dreg:$0x3] =	wrdreg s16  }
0xb6: {  	[dreg:$0x4] =	wrdreg s17  }
0xb7: {  	[dreg:$0x5] =	wrdreg $0x0  }
0xb8: {  	[dreg:$0x6] =	wrdreg $0x9  }
0xb9: {  	_ =	task.clear_ibuf [dreg:s8], $0x7FFFF;
	_ =	strace $0x90000046  }
0xba: {  	s29 =	simm.s32 $0x9;
	_ =	strace $0x80000048  }
0xbb: {  	_ =	swait.ge [sflag:s29], $0x1  }
0xbc: {  	[sflag:s29] =	ssyncadd.s32 $0xFFFFFFFF  }
0xbd: {  	_ =	strace $0x90000048  }
0xbe: {  	_ =	sfence  }
0xbf: {  	s30 =	sld [smem:$0x0];
	_ =	sdelay $0x2  }
0xc0: {  	s31 =	sshll.u32 s1, $0xD;
	s1 =	sshrl.u32 s1, $0x2  }
0xc1: {  	s3 =	sand.u32 $0x4000, s31;
	s1 =	sadd.s32 s1, s30  }
0xc2: {  	s0 =	sor.u32 s3, s0;
	s1 =	sshll.u32 s1, $0x11  }
0xc3: {  	s0 =	sor.u32 s1, s0  }
0xc4: {  	s0 =	sadd.s32 $0x8F2B, s0  }
0xc5: {  	[sflag:s0] =	ssyncadd.remote.s32 $0x1  }
0xc6: {  	_ =	sfence.sel $0xFFFF  }
0xc7: {  	[dreg:$0x0] =	wrdreg $0xFFFFFFFF;
	(pc) =	sbr.abs _section_cstart, $3  }
0xc8: {  	[dreg:$0x1] =	wrdreg $0xFFFFFFFF  }
0xc9: {  	_ =	task.clear_ibuf [dreg:s8], $0x2FFFF;
	_ =	strace $0x9FFFFFFF  }
0xca: {  	(tm) =	ssettm $0x7FFFFFFF  }
0xcb: {  	_ =	shalt  }
tec
execute0_lowered:
.L_overlay_start_1:
0x0: {  	(tag) =	ssettag $0x1  }
0x1: {  	s0 =	rddreg [dreg:$0x0]  }
0x2: {  	s1 =	rddreg [dreg:$0x1]  }
0x3: {  	s3 =	rddreg [dreg:$0x3];
	s2 =	srdreg.scid  }
0x4: {  	s5 =	simm.s32 $0x0;
	s10 =	stileid.u32;
	s18 =	simm.s32 $0x186A0  }
0x5: {  	s20 =	simm.s32 $0x80;
	s29 =	simm.s32 $0x188A0;
	s30 =	simm.s32 $0x1B2A0  }
0x6: {  	s31 =	simm.s32 $0x18920;
	s19 =	simm.s32 $0x0;
	s2 =	sand.u32 $0x1, s2  }
0x7: {  	s14 =	smul.u32 $0x186A0, s10;
	[smem:$0x7FF] =	sst s5;
	s6 =	sadd.s32 $0x18A400, s0  }
0x8: {  	s28 =	sshll.u32 s10, $0x6;
	s11 =	sadd.s32 $0x30D40, s1;
	s4 =	sshll.u32 s2, $0x4  }
0x9: {  	s7 =	ssub.s32 $0x2, s2;
	_ =	strace $0x80000047;
	p0 =	seq.s32 s2, $0x1  }
0xa: {  	s2 =	simm.s32 $0x1EC000;
	s4 =	sor.u32 s10, s4;
	s8 =	sshrl.u32 s7, $0x1  }
0xb: {  	s16 =	sadd.s32 s14, s3;
	s2 =	simm.s32 @!p0 $0x1BB200;
	s17 =	sshrl.u32 s14, $0x3  }
0xc: {  	s9 =	smul.u32 $0xC300, s4;
	s15 =	ssub.s32 s7, s8;
	s7 =	sor.u32 $0x1C03, s28  }
0xd: {  	s8 =	smul.u32 $0x186, s4;
	s12 =	sshll.u32 s4, $0x4;
	s0 =	sadd.s32 s2, s0  }
.Ltmp0:
0xe: {  	s16 =	sshrl.u32 s16, $0x3;
	p0 =	sgt.u32 s4, $0x13;
	(pc) =	sbr.rel .LBB2_1-.Ltmp0, $4  }
0xf: {  	s4 =	simm.s32 $0x1;
	s2 =	simm.s32 $0x2;
	s13 =	sadd.s32 s12, s1  }
0x10: {  	s14 =	smax.u32 s15, $0x1;
	s15 =	sadd.s32 s0, s17;
	s9 =	sshrl.u32 s9, $0x3  }
0x11: {  	s17 =	simm.s32 $0x3;
	s0 =	simm.s32 $0x1BAA0;
	s9 =	sadd.s32 s1, s9  }
0x12: {  	s12 =	sadd.s32 $0x30C00, s13;
	s13 =	sadd.s32 $0x61940, s13;
	s10 =	sadd.s32 $0x30D40, s9  }
.LBB2_5:
0x13: {  	_ =	swait.ge [sflag:s2], $0x800  }
0x14: {  	[sflag:s2] =	ssyncset.done $0x0  }
0x15: {  	[sflag:s2] =	ssyncadd.s32 $0xFFFFF800  }
0x16: {  	_ =	swait.ge [sflag:s2], $0x800  }
0x17: {  	[sflag:s2] =	ssyncset.done $0x0  }
0x18: {  	[sflag:s2] =	ssyncadd.s32 $0xFFFFF800  }
0x19: {  	_ =	swait.ge [sflag:s2], $0x800  }
0x1a: {  	[sflag:s2] =	ssyncset.done $0x0  }
0x1b: {  	[sflag:s2] =	ssyncadd.s32 $0xFFFFF800  }
0x1c: {  	_ =	swait.ge [sflag:s2], $0x800  }
0x1d: {  	[sflag:s2] =	ssyncset.done $0x0  }
0x1e: {  	[sflag:s2] =	ssyncadd.s32 $0xFFFFF800  }
0x1f: {  	_ =	swait.ge [sflag:s2], $0x800  }
0x20: {  	[sflag:s2] =	ssyncset.done $0x0  }
0x21: {  	[sflag:s2] =	ssyncadd.s32 $0xFFFFF800  }
0x22: {  	_ =	swait.ge [sflag:s2], $0x800  }
0x23: {  	s21 =	simm.s32 @!p0 $0x0;
	[sflag:s2] =	ssyncset.done $0x0  }
0x24: {  	s22 =	simm.s32 @!p0 $0x186A0;
	s23 =	simm.s32 @!p0 $0x3;
	[sflag:s2] =	ssyncadd.s32 $0xFFFFF800  }
0x25: {  	[tilespmem:s22], [sflag:$0x3] =	stream.linear.gather @!p0 [hbm4b:s12+s21], $0x80, $0x38;
	[tilespmem:$0x1F2A0] =	vst v63  }
0x26: {  	_ =	swait.ge @!p0 [sflag:s23], $0x80  }
0x27: {  	[sflag:s23] =	ssyncset.done @!p0 $0x0  }
0x28: {  	s24 =	simm.s32 @!p0 $0x18CA0;
	[sflag:s23] =	ssyncadd.s32 @!p0 $0xFFFFFF80  }
0x29: {  	[tilespmem:s24], [sflag:$0x3] =	stream.linear.gather @!p0 [hbm4b:s13+s21], $0x80, $0x38;
	[tilespmem:$0x1F2A0] =	vst v63  }
0x2a: {  	_ =	swait.ge @!p0 [sflag:s23], $0x80  }
0x2b: {  	[sflag:s23] =	ssyncset.done @!p0 $0x0  }
0x2c: {  	s25 =	simm.s32 @!p0 $0x192A0;
	s21 =	simm.s32 @!p0 $0x80;
	[sflag:s23] =	ssyncadd.s32 @!p0 $0xFFFFFF80  }
0x2d: {  	[tilespmem:s25], [sflag:$0x1] =	stream.indirect.gather @!p0 [hbm4b:s6+s21], $0x10, s22, s21, $0xb8;
	[tilespmem:$0x1F2A0] =	vst v63  }
0x2e: {  	s22 =	simm.s32 @!p0 $0x1  }
0x2f: {  	_ =	swait.ge @!p0 [sflag:s22], $0x800  }
0x30: {  	[sflag:s22] =	ssyncset.done @!p0 $0x0  }
0x31: {  	[sflag:s22] =	ssyncadd.s32 @!p0 $0xFFFFF800  }
0x32: {  	[spmem:s3] =	stream.indirect.scatter.add.f32 @!p0 [tilespmem:s25], [sflag:$0x3], $0x10, s24, s21, $0xb8;
	[tilespmem:$0x1F2A0] =	vst v63  }
0x33: {  	_ =	swait.ge @!p0 [sflag:s23], $0x800  }
0x34: {  	s19 =	sadd.s32 $0x1, s19;
	[sflag:s23] =	ssyncset.done @!p0 $0x0  }
0x35: {  	p1 =	sne.s32 s19, s14;
	[sflag:s23] =	ssyncadd.s32 @!p0 $0xFFFFF800  }
.Ltmp1:
0x36: {  	[bflag:$0x0] =	sbarrier.arrive $0xFFFF;
	(pc) =	sbr.rel @!p1 .LBB2_6-.Ltmp1, $4  }
0x37: {  	[hbm:s15], [sflag:s7] =	dma.local [spmem:s16], $0x30D4  }
0x38: {  	_ =	swait.ge [sflag:s17], $0x30D4  }
0x39: {  	[sflag:s17] =	ssyncset.done $0x0  }
0x3a: {  	[sflag:s17] =	ssyncadd.s32 $0xFFFFCF2C  }
.LBB2_1:
0x3b: {  	s21 =	rddreg [dreg:$0x2]  }
0x3c: {  	[spmem:s16], [sflag:s7] =	dma.local [hbm:s21], $0x30D4  }
0x3d: {  	_ =	swait.ge [sflag:s17], $0x30D4  }
0x3e: {  	[sflag:s17] =	ssyncset.done $0x0  }
0x3f: {  	[sflag:s17] =	ssyncadd.s32 $0xFFFFCF2C  }
0x40: {  	[bflag:$0x0] =	sbarrier.arrive $0xFFFF  }
0x41: {  	[tilespmem:s18], [sflag:$0x3] =	stream.linear.gather [hbm4b:s9+s5], $0x300, $0x38;
	[tilespmem:$0x1F2A0] =	vst v63  }
0x42: {  	_ =	swait.ge [sflag:s17], $0x300  }
0x43: {  	[sflag:s17] =	ssyncset.done $0x0  }
0x44: {  	s28 =	simm.s32 $0x18CA0;
	[sflag:s17] =	ssyncadd.s32 $0xFFFFFD00  }
0x45: {  	[tilespmem:s28], [sflag:$0x3] =	stream.linear.gather [hbm4b:s10+s5], $0x300, $0x38;
	[tilespmem:$0x1F2A0] =	vst v63  }
0x46: {  	_ =	swait.ge [sflag:s17], $0x300  }
0x47: {  	[sflag:s17] =	ssyncset.done $0x0  }
0x48: {  	s22 =	simm.s32 $0x192A0;
	[sflag:s17] =	ssyncadd.s32 $0xFFFFFD00  }
0x49: {  	[tilespmem:s22], [sflag:$0x1] =	stream.indirect.gather [hbm4b:s6+s20], $0x10, s18, s20, $0xb8;
	[tilespmem:$0x1F2A0] =	vst v63  }
0x4a: {  	s23 =	simm.s32 $0x18720;
	s22 =	simm.s32 $0x19AA0  }
0x4b: {  	[tilespmem:s22], [sflag:$0x1] =	stream.indirect.gather [hbm4b:s6+s20], $0x10, s23, s20, $0xb8;
	[tilespmem:$0x1F2A0] =	vst v63  }
0x4c: {  	s24 =	simm.s32 $0x187A0;
	s25 =	simm.s32 $0x1A2A0  }
0x4d: {  	[tilespmem:s25], [sflag:$0x1] =	stream.indirect.gather [hbm4b:s6+s20], $0x10, s24, s20, $0xb8;
	[tilespmem:$0x1F2A0] =	vst v63  }
0x4e: {  	s26 =	simm.s32 $0x18820;
	s28 =	simm.s32 $0x1AAA0  }
0x4f: {  	[tilespmem:s28], [sflag:$0x1] =	stream.indirect.gather [hbm4b:s6+s20], $0x10, s26, s20, $0xb8;
	[tilespmem:$0x1F2A0] =	vst v63  }
.Ltmp2:
0x50: {  	_ = 	snop;
	(pc) =	sbr.rel .LBB2_2-.Ltmp2, $4  }
0x51: {  	_ = 	snop  }
0x52: {  	[tilespmem:s30], [sflag:$0x1] =	stream.indirect.gather [hbm4b:s6+s20], $0x10, s29, s20, $0xb8;
	[tilespmem:$0x1F2A0] =	vst v63  }
0x53: {  	s21 =	simm.s32 $0x0  }
0x54: {  	[tilespmem:s0], [sflag:$0x1] =	stream.indirect.gather [hbm4b:s6+s20], $0x10, s31, s20, $0xb8;
	[tilespmem:$0x1F2A0] =	vst v63  }
.LBB2_4:
0x55: {  	s21 =	smul.u32 $0xC000, s23  }
0x56: {  	s25 =	smul.u32 $0xC00, s23;
	_ =	sdelay $0x1  }
0x57: {  	s21 =	sshrl.u32 s21, $0x2;
	s23 =	sshrl.u32 s25, $0x2  }
0x58: {  	s24 =	sadd.s32 $0x192A0, s21;
	s25 =	sor.u32 $0x18CA0, s23  }
0x59: {  	[spmem:s3] =	stream.indirect.scatter.add.f32 [tilespmem:s24], [sflag:$0x2], $0x10, s25, s20, $0xb8;
	[tilespmem:$0x1F2A0] =	vst v63  }
0x5a: {  	s26 =	sadd.s32 $0x19AA0, s21;
	s28 =	sadd.s32 $0x18D20, s23  }
0x5b: {  	[spmem:s3] =	stream.indirect.scatter.add.f32 [tilespmem:s26], [sflag:$0x2], $0x10, s28, s20, $0xb8;
	[tilespmem:$0x1F2A0] =	vst v63  }
0x5c: {  	s26 =	sadd.s32 $0x1A2A0, s21;
	s28 =	sadd.s32 $0x18DA0, s23  }
0x5d: {  	[spmem:s3] =	stream.indirect.scatter.add.f32 [tilespmem:s26], [sflag:$0x2], $0x10, s28, s20, $0xb8;
	[tilespmem:$0x1F2A0] =	vst v63  }
0x5e: {  	p1 =	slt.u32 s22, $0x41;
	s26 =	sadd.s32 $0x1AAA0, s21;
	s28 =	sadd.s32 $0x18E20, s23  }
0x5f: {  	[spmem:s3] =	stream.indirect.scatter.add.f32 [tilespmem:s26], [sflag:$0x2], $0x10, s28, s20, $0xb8;
	[tilespmem:$0x1F2A0] =	vst v63  }
.Ltmp3:
0x60: {  	s26 =	sadd.s32 $0x1B2A0, s21;
	s28 =	sadd.s32 $0x18EA0, s23;
	(pc) =	sbr.rel @!p1 .LBB2_5-.Ltmp3, $4  }
0x61: {  	[spmem:s3] =	stream.indirect.scatter.add.f32 [tilespmem:s26], [sflag:$0x2], $0x10, s28, s20, $0xb8;
	[tilespmem:$0x1F2A0] =	vst v63  }
0x62: {  	s21 =	sadd.s32 $0x1BAA0, s21;
	s23 =	sadd.s32 $0x18F20, s23  }
0x63: {  	[spmem:s3] =	stream.indirect.scatter.add.f32 [tilespmem:s21], [sflag:$0x2], $0x10, s23, s20, $0xb8;
	[tilespmem:$0x1F2A0] =	vst v63  }
0x64: {  	s21 =	smov.u32 s22  }
.LBB2_2:
0x65: {  	_ =	swait.ge [sflag:s4], $0x800  }
0x66: {  	[sflag:s4] =	ssyncset.done $0x0  }
0x67: {  	[sflag:s4] =	ssyncadd.s32 $0xFFFFF800  }
0x68: {  	_ =	swait.ge [sflag:s4], $0x800  }
0x69: {  	[sflag:s4] =	ssyncset.done $0x0  }
0x6a: {  	[sflag:s4] =	ssyncadd.s32 $0xFFFFF800  }
0x6b: {  	_ =	swait.ge [sflag:s4], $0x800  }
0x6c: {  	[sflag:s4] =	ssyncset.done $0x0  }
0x6d: {  	[sflag:s4] =	ssyncadd.s32 $0xFFFFF800  }
0x6e: {  	_ =	swait.ge [sflag:s4], $0x800  }
0x6f: {  	[sflag:s4] =	ssyncset.done $0x0  }
0x70: {  	[sflag:s4] =	ssyncadd.s32 $0xFFFFF800  }
0x71: {  	_ =	swait.ge [sflag:s4], $0x800  }
0x72: {  	[sflag:s4] =	ssyncset.done $0x0  }
0x73: {  	[sflag:s4] =	ssyncadd.s32 $0xFFFFF800  }
0x74: {  	_ =	swait.ge [sflag:s4], $0x800  }
0x75: {  	p1 =	seq.s32 s21, $0x0;
	[sflag:s4] =	ssyncset.done $0x0  }
0x76: {  	s22 =	simm.s32 @!p1 $0x2;
	[sflag:s4] =	ssyncadd.s32 $0xFFFFF800  }
0x77: {  	_ =	swait.ge @!p1 [sflag:s22], $0x800  }
0x78: {  	[sflag:s22] =	ssyncset.done @!p1 $0x0  }
0x79: {  	[sflag:s22] =	ssyncadd.s32 @!p1 $0xFFFFF800  }
0x7a: {  	_ =	swait.ge @!p1 [sflag:s22], $0x800  }
0x7b: {  	[sflag:s22] =	ssyncset.done @!p1 $0x0  }
0x7c: {  	[sflag:s22] =	ssyncadd.s32 @!p1 $0xFFFFF800  }
0x7d: {  	_ =	swait.ge @!p1 [sflag:s22], $0x800  }
0x7e: {  	[sflag:s22] =	ssyncset.done @!p1 $0x0  }
0x7f: {  	[sflag:s22] =	ssyncadd.s32 @!p1 $0xFFFFF800  }
0x80: {  	_ =	swait.ge @!p1 [sflag:s22], $0x800  }
0x81: {  	[sflag:s22] =	ssyncset.done @!p1 $0x0  }
0x82: {  	p2 =	seq.s32 @!p1 s21, $0x40;
	[sflag:s22] =	ssyncadd.s32 @!p1 $0xFFFFF800  }
0x83: {  	p2 =	por p1, !p2;
	_ =	swait.ge @!p1 [sflag:s22], $0x800  }
.Ltmp4:
0x84: {  	[sflag:s22] =	ssyncset.done @!p1 $0x0;
	(pc) =	sbr.rel @!p2 .LBB2_4-.Ltmp4, $4  }
0x85: {  	[sflag:s22] =	ssyncadd.s32 @!p1 $0xFFFFF800  }
0x86: {  	_ =	swait.ge @!p1 [sflag:s22], $0x800  }
0x87: {  	[sflag:s22] =	ssyncset.done @!p1 $0x0  }
0x88: {  	s23 =	sand.u32 $0x1, s21;
	[sflag:s22] =	ssyncadd.s32 @!p1 $0xFFFFF800;
	s22 =	simm.s32 @!p1 $0x41  }
0x89: {  	s22 =	sadd.s32 @!p1 $0x1, s21  }
0x8a: {  	s22 =	simm.s32 @p1 $0x1  }
0x8b: {  	s28 =	smul.u32 $0x6, s22  }
0x8c: {  	s24 =	sxor.u32 $0x1, s23  }
0x8d: {  	s25 =	smul.u32 $0x300, s24;
	s21 =	sadd.s32 s8, s28  }
0x8e: {  	s21 =	sshll.u32 s21, $0x4  }
0x8f: {  	s26 =	sadd.s32 $0x186A0, s25;
	s28 =	sadd.s32 s1, s21  }
0x90: {  	[tilespmem:s26], [sflag:$0x3] =	stream.linear.gather [hbm4b:s28+s5], $0x300, $0x38;
	[tilespmem:$0x1F2A0] =	vst v63  }
0x91: {  	_ =	swait.ge [sflag:s17], $0x300  }
0x92: {  	s24 =	smul.u32 $0xC000, s24;
	[sflag:s17] =	ssyncset.done $0x0  }
0x93: {  	s21 =	sadd.s32 s21, s11;
	s28 =	sor.u32 $0x18CA0, s25;
	[sflag:s17] =	ssyncadd.s32 $0xFFFFFD00  }
0x94: {  	[tilespmem:s28], [sflag:$0x3] =	stream.linear.gather [hbm4b:s21+s5], $0x300, $0x38;
	[tilespmem:$0x1F2A0] =	vst v63  }
0x95: {  	_ =	swait.ge [sflag:s17], $0x300  }
0x96: {  	s21 =	sshrl.u32 s24, $0x2;
	[sflag:s17] =	ssyncset.done $0x0  }
0x97: {  	s28 =	sadd.s32 $0x192A0, s21;
	[sflag:s17] =	ssyncadd.s32 $0xFFFFFD00  }
0x98: {  	[tilespmem:s28], [sflag:$0x1] =	stream.indirect.gather [hbm4b:s6+s20], $0x10, s26, s20, $0xb8;
	[tilespmem:$0x1F2A0] =	vst v63  }
0x99: {  	s26 =	sadd.s32 $0x19AA0, s21;
	s28 =	sadd.s32 $0x18720, s25  }
0x9a: {  	[tilespmem:s26], [sflag:$0x1] =	stream.indirect.gather [hbm4b:s6+s20], $0x10, s28, s20, $0xb8;
	[tilespmem:$0x1F2A0] =	vst v63  }
0x9b: {  	s26 =	sadd.s32 $0x1A2A0, s21;
	s28 =	sadd.s32 $0x187A0, s25  }
0x9c: {  	[tilespmem:s26], [sflag:$0x1] =	stream.indirect.gather [hbm4b:s6+s20], $0x10, s28, s20, $0xb8;
	[tilespmem:$0x1F2A0] =	vst v63  }
0x9d: {  	s26 =	sadd.s32 $0x1AAA0, s21;
	s28 =	sor.u32 $0x18820, s25  }
0x9e: {  	[tilespmem:s26], [sflag:$0x1] =	stream.indirect.gather [hbm4b:s6+s20], $0x10, s28, s20, $0xb8;
	[tilespmem:$0x1F2A0] =	vst v63  }
.Ltmp5:
0x9f: {  	_ = 	snop;
	(pc) =	sbr.rel .LBB2_4-.Ltmp5, $4  }
0xa0: {  	s26 =	sadd.s32 $0x1B2A0, s21;
	s28 =	sor.u32 $0x188A0, s25  }
0xa1: {  	[tilespmem:s26], [sflag:$0x1] =	stream.indirect.gather [hbm4b:s6+s20], $0x10, s28, s20, $0xb8;
	[tilespmem:$0x1F2A0] =	vst v63  }
0xa2: {  	s21 =	sadd.s32 $0x1BAA0, s21;
	s28 =	sadd.s32 $0x18920, s25  }
0xa3: {  	[tilespmem:s21], [sflag:$0x1] =	stream.indirect.gather [hbm4b:s6+s20], $0x10, s28, s20, $0xb8;
	[tilespmem:$0x1F2A0] =	vst v63  }
.LBB2_6:
0xa4: {  	_ =	sfence.sel $0x180000  }
0xa5: {  	[bflag:$0x0] =	sbarrier.arrive $0xFFFF  }
0xa6: {  	_ =	strace $0x90000047  }
0xa7: {  	s0 =	stileid.u32;
	[bflag:$0x2] =	sbarrier.arrive $0xFFFF  }
0xa8: {  	p0 =	sne.s32 s0, $0x0;
	s0 =	rddreg [dreg:$0x4]  }
0xa9: {  	s0 =	sadd.s32 @!p0 $0x100000, s0  }
0xaa: {  	[sflag:s0] =	ssyncadd.tile.s32 @!p0 $0x1;
	_ =	shalt  }
.Lfunc_end2:
_tile_overlayer_lowered:
.L_overlay_start_2:
0xab: {  	(tag) =	ssettag $0x2  }
0xac: {  	s0 =	rddreg [dreg:$0x0];
	s2 =	stileid.u32  }
0xad: {  	s1 =	rddreg [dreg:$0x1];
	p0 =	sne.s32 s2, $0x0  }
0xae: {  	s3 =	rddreg [dreg:$0x2];
	[bflag:$0x3] =	sbarrier.arrive $0xFFFF;
	s2 =	simm.s32 @!p0 $0x1C03  }
0xaf: {  	[timem:s3], [sflag:s2] =	dma.local @!p0 [hbm:s0], s1  }
0xb0: {  	s0 =	simm.s32 @!p0 $0x3  }
0xb1: {  	_ =	swait.ge @!p0 [sflag:s0], s1  }
0xb2: {  	s1 =	ssub.s32 @!p0 $0x0, s1;
	[sflag:s0] =	ssyncset.done @!p0 $0x0  }
0xb3: {  	[sflag:s0] =	ssyncadd.s32 @!p0 s1  }
0xb4: {  	[bflag:$0x3] =	sbarrier.arrive $0xFFFF  }
0xb5: {  	_ =	shalt  }

</sc_bundles>
